<compile_context>
chip_gen: v7x
topology: tpu7x:2x2x1
jax: 0.10.2.dev20260603
libtpu: 0.0.44.dev20260713+nightly
codegen_flags: <defaults>
</compile_context>

<pallas_src>
import jax
import jax.numpy as jnp
from jax import lax
from jax.experimental import pallas as pl
from jax.experimental.pallas import tpu as pltpu
from jax.experimental.pallas import tpu_sc as plsc

N_NODES = 10000
N_EDGES = 160000
D = 256
NS = 16
NC = 2
NW = NC * NS
EPT = N_EDGES // NW
CPP = 4
SLAB = N_NODES * CPP
NQ = D // CPP
POS = N_EDGES * CPP
GP = 16000
NEG = POS // GP
N_PAD = 10240
SLAB_P = CPP * N_PAD
R2 = 1280

_SC_PARAMS = pltpu.CompilerParams(needs_layout_passes=False)


def _deg_body(e2_hbm, zeros_hbm, deg_hbm, idx_v, hist):
    c = lax.axis_index("c")
    s = lax.axis_index("s")
    w = c * NS + s
    pltpu.sync_copy(zeros_hbm, hist)
    ones = jnp.ones((16,), jnp.float32)

    pltpu.sync_copy(e2_hbm.at[pl.ds(w * (2 * EPT), 2 * EPT)], idx_v)

    @pl.loop(0, 2 * EPT // 16)
    def _(j):
        iv = idx_v[pl.ds(j * 16, 16)]
        plsc.addupdate_scatter(hist, [iv], ones)

    pltpu.sync_copy(hist, deg_hbm.at[pl.ds(w * 2 * N_NODES, 2 * N_NODES)])


def _sc_degrees(e2, zeros2n):
    mesh = plsc.VectorSubcoreMesh(core_axis_name="c", subcore_axis_name="s")
    f = pl.kernel(
        _deg_body,
        out_type=jax.ShapeDtypeStruct((NW * 2 * N_NODES,), jnp.float32),
        mesh=mesh,
        compiler_params=_SC_PARAMS,
        scratch_types=[
            pltpu.VMEM((2 * EPT,), jnp.int32),
            pltpu.VMEM((2 * N_NODES,), jnp.float32),
        ],
    )
    return f(e2, zeros2n)


def _mm_body(x_ref, hist_ref, w_ref, out_ref):
    deg = jnp.sum(hist_ref[...], axis=1, keepdims=True)
    norm = lax.rsqrt(jnp.maximum(deg, 1.0))
    xb = x_ref[...] * norm
    y = jnp.dot(xb, w_ref[...], preferred_element_type=jnp.float32)
    out_ref[...] = y.T.reshape(NQ, CPP, y.shape[0])


def _unused_mm():
    pass


def _tc_matmul(x, hist_src, W):
    grid = (N_PAD // R2,)
    return pl.pallas_call(
        _mm_body,
        grid=grid,
        in_specs=[
            pl.BlockSpec((R2, D), lambda i: (i, 0)),
            pl.BlockSpec((R2, NW), lambda i: (i, 0)),
            pl.BlockSpec((D, D), lambda i: (0, 0)),
        ],
        out_specs=pl.BlockSpec((NQ, CPP, R2), lambda i: (0, 0, i)),
        out_shape=jax.ShapeDtypeStruct((NQ, CPP, N_PAD), jnp.float32),
    )(x, hist_src, W)


def _agg_body(featq_hbm, pk4_hbm, zeros_hbm, out_hbm, slab, agg, p4):
    c = lax.axis_index("c")
    s = lax.axis_index("s")
    w = c * NS + s

    for p in range(2):
        q = w * 2 + p
        pltpu.sync_copy(featq_hbm.at[pl.ds(q * SLAB_P, SLAB_P)], slab)
        pltpu.sync_copy(zeros_hbm, agg)

        @pl.loop(0, NEG)
        def _(g):
            pltpu.sync_copy(pk4_hbm.at[pl.ds(g * GP, GP)], p4)

            @pl.loop(0, GP // 16, unroll=8)
            def _(t):
                pk = p4[pl.ds(t * 16, 16)]
                pv = lax.bitwise_and(pk, jnp.int32(0xFFFF))
                dv = lax.shift_right_logical(pk, jnp.int32(16))
                mv = plsc.load_gather(slab, [pv])
                plsc.addupdate_scatter(agg, [dv], mv)

        pltpu.sync_copy(agg, out_hbm.at[pl.ds(q * SLAB_P, SLAB_P)])


def _sc_aggregate(featq, pk4, zeros4):
    mesh = plsc.VectorSubcoreMesh(core_axis_name="c", subcore_axis_name="s")
    f = pl.kernel(
        _agg_body,
        out_type=jax.ShapeDtypeStruct((NQ * SLAB_P,), jnp.float32),
        mesh=mesh,
        compiler_params=_SC_PARAMS,
        scratch_types=[
            pltpu.VMEM((SLAB_P,), jnp.float32),
            pltpu.VMEM((SLAB_P,), jnp.float32),
            pltpu.VMEM((GP,), jnp.int32),
        ],
    )
    return f(featq, pk4, zeros4)


def _epi_body(agg_ref, hist_ref, b_ref, out_ref):
    deg = jnp.sum(hist_ref[...], axis=1, keepdims=True)
    norm = lax.rsqrt(jnp.maximum(deg, 1.0))
    a = agg_ref[...]
    y = a.reshape(D, a.shape[2]).T
    y = y * norm + b_ref[...]
    out_ref[...] = jnp.maximum(y, 0.0)


def _tc_epilogue(agg, hist_dst, b2):
    grid = (N_PAD // R2,)
    return pl.pallas_call(
        _epi_body,
        grid=grid,
        in_specs=[
            pl.BlockSpec((NQ, CPP, R2), lambda i: (0, 0, i)),
            pl.BlockSpec((R2, NW), lambda i: (i, 0)),
            pl.BlockSpec((1, D), lambda i: (0, 0)),
        ],
        out_specs=pl.BlockSpec((R2, D), lambda i: (i, 0)),
        out_shape=jax.ShapeDtypeStruct((N_NODES, D), jnp.float32),
    )(agg, hist_dst, b2)


def _e2_body(s_ref, d_ref, o_ref):
    o_ref[:, 0, :] = s_ref[...]
    o_ref[:, 1, :] = d_ref[...] + N_NODES


def _tc_prep_e2(src_r, dst_r):
    grid = (NW // 8,)
    return pl.pallas_call(
        _e2_body,
        grid=grid,
        in_specs=[
            pl.BlockSpec((8, EPT), lambda i: (i, 0)),
            pl.BlockSpec((8, EPT), lambda i: (i, 0)),
        ],
        out_specs=pl.BlockSpec((8, 2, EPT), lambda i: (i, 0, 0)),
        out_shape=jax.ShapeDtypeStruct((NW, 2, EPT), jnp.int32),
    )(src_r, dst_r)


E8 = N_EDGES // 8


def _pk_body(s_ref, d_ref, pk_ref):
    lN = lax.broadcasted_iota(jnp.int32, (CPP, 8, E8), 0) * N_PAD
    sv = s_ref[...][None] + lN
    dv = d_ref[...][None] + lN
    pk_ref[...] = jnp.bitwise_or(sv, dv << 16)


def _tc_prep_pk(src_c, dst_c):
    return pl.pallas_call(
        _pk_body,
        grid=(1,),
        in_specs=[
            pl.BlockSpec((8, E8), lambda i: (0, 0)),
            pl.BlockSpec((8, E8), lambda i: (0, 0)),
        ],
        out_specs=pl.BlockSpec((CPP, 8, E8), lambda i: (0, 0, 0)),
        out_shape=jax.ShapeDtypeStruct((CPP, 8, E8), jnp.int32),
    )(src_c, dst_c)


def _tp_body(part_ref, hs_ref, hd_ref):
    y = part_ref[...]
    hs_ref[...] = y[:, 0, :].T
    hd_ref[...] = y[:, 1, :].T


def _tc_hist_transpose(part):
    return pl.pallas_call(
        _tp_body,
        grid=(1,),
        in_specs=[pl.BlockSpec((NW, 2, N_NODES), lambda i: (0, 0, 0))],
        out_specs=[
            pl.BlockSpec((N_NODES, NW), lambda i: (0, 0)),
            pl.BlockSpec((N_NODES, NW), lambda i: (0, 0)),
        ],
        out_shape=[
            jax.ShapeDtypeStruct((N_NODES, NW), jnp.float32),
            jax.ShapeDtypeStruct((N_NODES, NW), jnp.float32),
        ],
    )(part)


def kernel(x, edge_index, W, b):
    src = edge_index[0]
    dst = edge_index[1]

    e2 = _tc_prep_e2(src.reshape(NW, EPT), dst.reshape(NW, EPT)).reshape(-1)
    zeros2n = jnp.zeros((2 * N_NODES,), jnp.float32)
    part = _sc_degrees(e2, zeros2n).reshape(NW, 2, N_NODES)
    hist_src, hist_dst = _tc_hist_transpose(part)

    featq = _tc_matmul(x, hist_src, W).reshape(-1)
    pk4 = _tc_prep_pk(src.reshape(8, E8), dst.reshape(8, E8)).reshape(-1)
    zeros4 = jnp.zeros((SLAB_P,), jnp.float32)

    aggq = _sc_aggregate(featq, pk4, zeros4)
    agg = aggq.reshape(NQ, CPP, N_PAD)
    return _tc_epilogue(agg, hist_dst, b.reshape(1, D))

# --- scband reference (transcript-rebuilt; emitter-appended) ---
"""Pipeline reference for scband-gcn-21251498181261 (READ-ONLY COPY).

The authoritative reference and input builder live on the scoring server;
editing this copy changes nothing except your own understanding.
"""

import jax, jax.numpy as jnp
import numpy as np

N_NODES = 10000
N_EDGES = 160000
D_IN = 256
D_OUT = 256


def setup_inputs(seed: int = 0) -> dict:
    key = jax.random.key(seed)
    k1, k2, k3 = jax.random.split(key, 3)
    x = jax.random.normal(k1, (N_NODES, D_IN), dtype=jnp.float32)
    edge_index = jax.random.randint(k2, (2, N_EDGES), 0, N_NODES, dtype=jnp.int32)
    # GraphConv learned parameters (DGL GraphConv: weight [in, out], bias [out])
    W = jax.random.normal(k3, (D_IN, D_OUT), dtype=jnp.float32) * (1.0 / np.sqrt(D_IN))
    b = jnp.zeros((D_OUT,), dtype=jnp.float32)
    return {"x": x, "edge_index": edge_index, "W": W, "b": b}


def reference(x, edge_index, W, b):
    # Faithful DGL GraphConv with norm='both':
    #   out = relu( D_in^{-1/2} * A^T * (D_out^{-1/2} * X) W + b )
    src = edge_index[0]
    dst = edge_index[1]
    N = x.shape[0]
    ones_e = jnp.ones((src.shape[0],), dtype=x.dtype)
    deg_out = jax.ops.segment_sum(ones_e, src, num_segments=N)
    deg_in = jax.ops.segment_sum(ones_e, dst, num_segments=N)
    norm_src = jax.lax.rsqrt(jnp.clip(deg_out, 1.0, None))
    norm_dst = jax.lax.rsqrt(jnp.clip(deg_in, 1.0, None))
    feat = x * norm_src[:, None]
    # in_feats == out_feats: DGL multiplies by W before aggregation
    feat = feat @ W
    msg = jnp.take(feat, src, axis=0)
    agg = jax.ops.segment_sum(msg, dst, num_segments=N)
    out = agg * norm_dst[:, None] + b
    return jax.nn.relu(out)

if __name__ == "__main__":
    import jax
    _d = setup_inputs()
    print(jax.jit(kernel)(*tuple(_d.values())))

</pallas_src>

<mosaic_0001>
#map = affine_map<(d0, d1) -> (0)>
module attributes {stable_mosaic.version = 14 : i64} {
  func.func @_deg_body(%arg0: i32, %arg1: i32, %arg2: memref<320000xi32, #tpu.memory_space<hbm>>, %arg3: memref<20000xf32, #tpu.memory_space<hbm>>, %arg4: memref<640000xf32, #tpu.memory_space<hbm>>, %arg5: memref<10000xi32, #tpu.memory_space<vmem>>, %arg6: memref<20000xf32, #tpu.memory_space<vmem>>) attributes {dimension_semantics = [#tpu.dimension_semantics<core_parallel>, #tpu.dimension_semantics<subcore_parallel>], iteration_bounds = array<i64: 2, 16>, scalar_prefetch = 0 : i64, scratch_operands = 2 : i64, tpu.core_type = #tpu.core_type<sc_vector_subcore>, window_params = [{transform_indices = #map}, {transform_indices = #map}, {transform_indices = #map}]} {
    %mul3A = arith.constant 16 : i32
    %mul3A_0 = arith.muli %arg0, %mul3A : i32
    %add3A = arith.addi %mul3A_0, %arg1 : i32
    "tpu.region"() ({
      %run_scoped3A = tpu.sem_alloc : memref<!tpu.dma_semaphore, #tpu.memory_space<semaphore_mem>>
      tpu.enqueue_dma source(%arg3 : memref<20000xf32, #tpu.memory_space<hbm>>) target(%arg6 : memref<20000xf32, #tpu.memory_space<vmem>>) target_semaphore(%run_scoped3A : memref<!tpu.dma_semaphore, #tpu.memory_space<semaphore_mem>>)
      tpu.wait_dma2 semaphore(%run_scoped3A : memref<!tpu.dma_semaphore, #tpu.memory_space<semaphore_mem>>) src(%arg3 : memref<20000xf32, #tpu.memory_space<hbm>>) dst(%arg6 : memref<20000xf32, #tpu.memory_space<vmem>>)
      tpu.yield
    }) : () -> ()
    %broadcast_in_dim3A = arith.constant 1.000000e+00 : f32
    %broadcast_in_dim3A_1 = vector.broadcast %broadcast_in_dim3A : f32 to vector<16xf32>
    %mul3A_2 = arith.constant 10000 : i32
    %mul3A_3 = arith.muli %add3A, %mul3A_2 : i32
    "tpu.region"() ({
      %run_scoped3A = tpu.sem_alloc : memref<!tpu.dma_semaphore, #tpu.memory_space<semaphore_mem>>
      %dma_start3A = tpu.memref_slice %arg2[%mul3A_3] : memref<320000xi32, #tpu.memory_space<hbm>> -> memref<10000xi32, #tpu.memory_space<hbm>>
      %dma_start3A_12 = tpu.memref_slice %arg2[%mul3A_3] : memref<320000xi32, #tpu.memory_space<hbm>> -> memref<10000xi32, #tpu.memory_space<hbm>>
      tpu.enqueue_dma source(%dma_start3A_12 : memref<10000xi32, #tpu.memory_space<hbm>>) target(%arg5 : memref<10000xi32, #tpu.memory_space<vmem>>) target_semaphore(%run_scoped3A : memref<!tpu.dma_semaphore, #tpu.memory_space<semaphore_mem>>)
      %dma_wait3A = tpu.memref_slice %arg2[%mul3A_3] : memref<320000xi32, #tpu.memory_space<hbm>> -> memref<10000xi32, #tpu.memory_space<hbm>>
      %dma_wait3A_13 = tpu.memref_slice %arg2[%mul3A_3] : memref<320000xi32, #tpu.memory_space<hbm>> -> memref<10000xi32, #tpu.memory_space<hbm>>
      tpu.wait_dma2 semaphore(%run_scoped3A : memref<!tpu.dma_semaphore, #tpu.memory_space<semaphore_mem>>) src(%dma_wait3A_13 : memref<10000xi32, #tpu.memory_space<hbm>>) dst(%arg5 : memref<10000xi32, #tpu.memory_space<vmem>>)
      tpu.yield
    }) : () -> ()
    %scan3A = arith.constant 0 : i32
    %scan3A_4 = arith.constant 625 : i32
    %scan3A_5 = arith.addi %scan3A, %scan3A_4 : i32
    %scan3A_6 = arith.constant 1 : i32
    scf.for %scan3A_12 = %scan3A to %scan3A_5 step %scan3A_6  : i32 {
      %mul3A_13 = arith.constant 1 : i32
      %mul3A_14 = arith.muli %scan3A_12, %mul3A_13 : i32
      %add3A_15 = arith.constant 0 : i32
      %add3A_16 = arith.addi %add3A_15, %mul3A_14 : i32
      %mul3A_17 = arith.constant 16 : i32
      %mul3A_18 = arith.muli %add3A_16, %mul3A_17 : i32
      %get3A = arith.index_cast %mul3A_18 : i32 to index
      %get3A_19 = tpu.vector_load %arg5[%get3A] {strides = array<i32>} : memref<10000xi32, #tpu.memory_space<vmem>>, vector<16xi32>,
      tpu.vector_store_idx %arg6[%get3A_19], %broadcast_in_dim3A_1 {add = true} : memref<20000xf32, #tpu.memory_space<vmem>>[vector<16xi32>], vector<16xf32>,
    }
    %scan3A_7 = arith.constant 625 : i32
    %mul3A_8 = arith.constant 2 : i32
    %mul3A_9 = arith.muli %add3A, %mul3A_8 : i32
    %mul3A_10 = arith.constant 10000 : i32
    %mul3A_11 = arith.muli %mul3A_9, %mul3A_10 : i32
    "tpu.region"() ({
      %run_scoped3A = tpu.sem_alloc : memref<!tpu.dma_semaphore, #tpu.memory_space<semaphore_mem>>
      %dma_start3A = tpu.memref_slice %arg4[%mul3A_11] : memref<640000xf32, #tpu.memory_space<hbm>> -> memref<20000xf32, #tpu.memory_space<hbm>>
      %dma_start3A_12 = tpu.memref_slice %arg4[%mul3A_11] : memref<640000xf32, #tpu.memory_space<hbm>> -> memref<20000xf32, #tpu.memory_space<hbm>>
      tpu.enqueue_dma source(%arg6 : memref<20000xf32, #tpu.memory_space<vmem>>) target(%dma_start3A_12 : memref<20000xf32, #tpu.memory_space<hbm>>) target_semaphore(%run_scoped3A : memref<!tpu.dma_semaphore, #tpu.memory_space<semaphore_mem>>)
      %dma_wait3A = tpu.memref_slice %arg4[%mul3A_11] : memref<640000xf32, #tpu.memory_space<hbm>> -> memref<20000xf32, #tpu.memory_space<hbm>>
      %dma_wait3A_13 = tpu.memref_slice %arg4[%mul3A_11] : memref<640000xf32, #tpu.memory_space<hbm>> -> memref<20000xf32, #tpu.memory_space<hbm>>
      tpu.wait_dma2 semaphore(%run_scoped3A : memref<!tpu.dma_semaphore, #tpu.memory_space<semaphore_mem>>) src(%arg6 : memref<20000xf32, #tpu.memory_space<vmem>>) dst(%dma_wait3A_13 : memref<20000xf32, #tpu.memory_space<hbm>>)
      tpu.yield
    }) : () -> ()
    return
  }
}

#map = affine_map<(d0, d1) -> (0)>
module attributes {stable_mosaic.version = 14 : i64} {
  func.func @_agg_body(%arg0: i32, %arg1: i32, %arg2: memref<2621440xf32, #tpu.memory_space<hbm>>, %arg3: memref<640000xi32, #tpu.memory_space<hbm>>, %arg4: memref<40960xf32, #tpu.memory_space<hbm>>, %arg5: memref<2621440xf32, #tpu.memory_space<hbm>>, %arg6: memref<40960xf32, #tpu.memory_space<vmem>>, %arg7: memref<40960xf32, #tpu.memory_space<vmem>>, %arg8: memref<16000xi32, #tpu.memory_space<vmem>>) attributes {dimension_semantics = [#tpu.dimension_semantics<core_parallel>, #tpu.dimension_semantics<subcore_parallel>], iteration_bounds = array<i64: 2, 16>, scalar_prefetch = 0 : i64, scratch_operands = 3 : i64, tpu.core_type = #tpu.core_type<sc_vector_subcore>, window_params = [{transform_indices = #map}, {transform_indices = #map}, {transform_indices = #map}, {transform_indices = #map}]} {
    %mul3A = arith.constant 16 : i32
    %mul3A_0 = arith.muli %arg0, %mul3A : i32
    %add3A = arith.addi %mul3A_0, %arg1 : i32
    %mul3A_1 = arith.constant 2 : i32
    %mul3A_2 = arith.muli %add3A, %mul3A_1 : i32
    %add3A_3 = arith.constant 0 : i32
    %add3A_4 = arith.addi %mul3A_2, %add3A_3 : i32
    %mul3A_5 = arith.constant 40960 : i32
    %mul3A_6 = arith.muli %add3A_4, %mul3A_5 : i32
    "tpu.region"() ({
      %run_scoped3A = tpu.sem_alloc : memref<!tpu.dma_semaphore, #tpu.memory_space<semaphore_mem>>
      %dma_start3A = tpu.memref_slice %arg2[%mul3A_6] : memref<2621440xf32, #tpu.memory_space<hbm>> -> memref<40960xf32, #tpu.memory_space<hbm>>
      %dma_start3A_26 = tpu.memref_slice %arg2[%mul3A_6] : memref<2621440xf32, #tpu.memory_space<hbm>> -> memref<40960xf32, #tpu.memory_space<hbm>>
      tpu.enqueue_dma source(%dma_start3A_26 : memref<40960xf32, #tpu.memory_space<hbm>>) target(%arg6 : memref<40960xf32, #tpu.memory_space<vmem>>) target_semaphore(%run_scoped3A : memref<!tpu.dma_semaphore, #tpu.memory_space<semaphore_mem>>)
      %dma_wait3A = tpu.memref_slice %arg2[%mul3A_6] : memref<2621440xf32, #tpu.memory_space<hbm>> -> memref<40960xf32, #tpu.memory_space<hbm>>
      %dma_wait3A_27 = tpu.memref_slice %arg2[%mul3A_6] : memref<2621440xf32, #tpu.memory_space<hbm>> -> memref<40960xf32, #tpu.memory_space<hbm>>
      tpu.wait_dma2 semaphore(%run_scoped3A : memref<!tpu.dma_semaphore, #tpu.memory_space<semaphore_mem>>) src(%dma_wait3A_27 : memref<40960xf32, #tpu.memory_space<hbm>>) dst(%arg6 : memref<40960xf32, #tpu.memory_space<vmem>>)
      tpu.yield
    }) : () -> ()
    "tpu.region"() ({
      %run_scoped3A = tpu.sem_alloc : memref<!tpu.dma_semaphore, #tpu.memory_space<semaphore_mem>>
      tpu.enqueue_dma source(%arg4 : memref<40960xf32, #tpu.memory_space<hbm>>) target(%arg7 : memref<40960xf32, #tpu.memory_space<vmem>>) target_semaphore(%run_scoped3A : memref<!tpu.dma_semaphore, #tpu.memory_space<semaphore_mem>>)
      tpu.wait_dma2 semaphore(%run_scoped3A : memref<!tpu.dma_semaphore, #tpu.memory_space<semaphore_mem>>) src(%arg4 : memref<40960xf32, #tpu.memory_space<hbm>>) dst(%arg7 : memref<40960xf32, #tpu.memory_space<vmem>>)
      tpu.yield
    }) : () -> ()
    %scan3A = arith.constant 0 : i32
    %scan3A_7 = arith.constant 40 : i32
    %scan3A_8 = arith.addi %scan3A, %scan3A_7 : i32
    %scan3A_9 = arith.constant 1 : i32
    scf.for %scan3A_26 = %scan3A to %scan3A_8 step %scan3A_9  : i32 {
      %mul3A_27 = arith.constant 1 : i32
      %mul3A_28 = arith.muli %scan3A_26, %mul3A_27 : i32
      %add3A_29 = arith.constant 0 : i32
      %add3A_30 = arith.addi %add3A_29, %mul3A_28 : i32
      %mul3A_31 = arith.constant 16000 : i32
      %mul3A_32 = arith.muli %add3A_30, %mul3A_31 : i32
      "tpu.region"() ({
        %run_scoped3A = tpu.sem_alloc : memref<!tpu.dma_semaphore, #tpu.memory_space<semaphore_mem>>
        %dma_start3A = tpu.memref_slice %arg3[%mul3A_32] : memref<640000xi32, #tpu.memory_space<hbm>> -> memref<16000xi32, #tpu.memory_space<hbm>>
        %dma_start3A_38 = tpu.memref_slice %arg3[%mul3A_32] : memref<640000xi32, #tpu.memory_space<hbm>> -> memref<16000xi32, #tpu.memory_space<hbm>>
        tpu.enqueue_dma source(%dma_start3A_38 : memref<16000xi32, #tpu.memory_space<hbm>>) target(%arg8 : memref<16000xi32, #tpu.memory_space<vmem>>) target_semaphore(%run_scoped3A : memref<!tpu.dma_semaphore, #tpu.memory_space<semaphore_mem>>)
        %dma_wait3A = tpu.memref_slice %arg3[%mul3A_32] : memref<640000xi32, #tpu.memory_space<hbm>> -> memref<16000xi32, #tpu.memory_space<hbm>>
        %dma_wait3A_39 = tpu.memref_slice %arg3[%mul3A_32] : memref<640000xi32, #tpu.memory_space<hbm>> -> memref<16000xi32, #tpu.memory_space<hbm>>
        tpu.wait_dma2 semaphore(%run_scoped3A : memref<!tpu.dma_semaphore, #tpu.memory_space<semaphore_mem>>) src(%dma_wait3A_39 : memref<16000xi32, #tpu.memory_space<hbm>>) dst(%arg8 : memref<16000xi32, #tpu.memory_space<vmem>>)
        tpu.yield
      }) : () -> ()
      %scan3A_33 = arith.constant 0 : i32
      %scan3A_34 = arith.constant 1000 : i32
      %scan3A_35 = arith.addi %scan3A_33, %scan3A_34 : i32
      %scan3A_36 = arith.constant 8 : i32
      scf.for %scan3A_38 = %scan3A_33 to %scan3A_35 step %scan3A_36  : i32 {
        %mul3A_39 = arith.constant 1 : i32
        %mul3A_40 = arith.muli %scan3A_38, %mul3A_39 : i32
        %add3A_41 = arith.constant 0 : i32
        %add3A_42 = arith.addi %add3A_41, %mul3A_40 : i32
        %mul3A_43 = arith.constant 16 : i32
        %mul3A_44 = arith.muli %add3A_42, %mul3A_43 : i32
        %get3A = arith.index_cast %mul3A_44 : i32 to index
        %get3A_45 = tpu.vector_load %arg8[%get3A] {strides = array<i32>} : memref<16000xi32, #tpu.memory_space<vmem>>, vector<16xi32>,
        %and3A = arith.constant 65535 : i32
        %and3A_46 = vector.broadcast %and3A : i32 to vector<16xi32>
        %and3A_47 = arith.andi %get3A_45, %and3A_46 : vector<16xi32>
        %shift_right_logical3A = arith.constant 16 : i32
        %shift_right_logical3A_48 = vector.broadcast %shift_right_logical3A : i32 to vector<16xi32>
        %shift_right_logical3A_49 = arith.shrui %get3A_45, %shift_right_logical3A_48 : vector<16xi32>
        %gather3A = tpu.vector_load_idx %arg6[%and3A_47] : memref<40960xf32, #tpu.memory_space<vmem>>[vector<16xi32>], vector<16xf32>,
        tpu.vector_store_idx %arg7[%shift_right_logical3A_49], %gather3A {add = true} : memref<40960xf32, #tpu.memory_space<vmem>>[vector<16xi32>], vector<16xf32>,
        %scan3A_50 = arith.constant 1 : i32
        %scan3A_51 = arith.addi %scan3A_38, %scan3A_50 : i32
        %mul3A_52 = arith.constant 1 : i32
        %mul3A_53 = arith.muli %scan3A_51, %mul3A_52 : i32
        %add3A_54 = arith.constant 0 : i32
        %add3A_55 = arith.addi %add3A_54, %mul3A_53 : i32
        %mul3A_56 = arith.constant 16 : i32
        %mul3A_57 = arith.muli %add3A_55, %mul3A_56 : i32
        %get3A_58 = arith.index_cast %mul3A_57 : i32 to index
        %get3A_59 = tpu.vector_load %arg8[%get3A_58] {strides = array<i32>} : memref<16000xi32, #tpu.memory_space<vmem>>, vector<16xi32>,
        %and3A_60 = arith.constant 65535 : i32
        %and3A_61 = vector.broadcast %and3A_60 : i32 to vector<16xi32>
        %and3A_62 = arith.andi %get3A_59, %and3A_61 : vector<16xi32>
        %shift_right_logical3A_63 = arith.constant 16 : i32
        %shift_right_logical3A_64 = vector.broadcast %shift_right_logical3A_63 : i32 to vector<16xi32>
        %shift_right_logical3A_65 = arith.shrui %get3A_59, %shift_right_logical3A_64 : vector<16xi32>
        %gather3A_66 = tpu.vector_load_idx %arg6[%and3A_62] : memref<40960xf32, #tpu.memory_space<vmem>>[vector<16xi32>], vector<16xf32>,
        tpu.vector_store_idx %arg7[%shift_right_logical3A_65], %gather3A_66 {add = true} : memref<40960xf32, #tpu.memory_space<vmem>>[vector<16xi32>], vector<16xf32>,
        %scan3A_67 = arith.constant 2 : i32
        %scan3A_68 = arith.addi %scan3A_38, %scan3A_67 : i32
        %mul3A_69 = arith.constant 1 : i32
        %mul3A_70 = arith.muli %scan3A_68, %mul3A_69 : i32
        %add3A_71 = arith.constant 0 : i32
        %add3A_72 = arith.addi %add3A_71, %mul3A_70 : i32
        %mul3A_73 = arith.constant 16 : i32
        %mul3A_74 = arith.muli %add3A_72, %mul3A_73 : i32
        %get3A_75 = arith.index_cast %mul3A_74 : i32 to index
        %get3A_76 = tpu.vector_load %arg8[%get3A_75] {strides = array<i32>} : memref<16000xi32, #tpu.memory_space<vmem>>, vector<16xi32>,
        %and3A_77 = arith.constant 65535 : i32
        %and3A_78 = vector.broadcast %and3A_77 : i32 to vector<16xi32>
        %and3A_79 = arith.andi %get3A_76, %and3A_78 : vector<16xi32>
        %shift_right_logical3A_80 = arith.constant 16 : i32
        %shift_right_logical3A_81 = vector.broadcast %shift_right_logical3A_80 : i32 to vector<16xi32>
        %shift_right_logical3A_82 = arith.shrui %get3A_76, %shift_right_logical3A_81 : vector<16xi32>
        %gather3A_83 = tpu.vector_load_idx %arg6[%and3A_79] : memref<40960xf32, #tpu.memory_space<vmem>>[vector<16xi32>], vector<16xf32>,
        tpu.vector_store_idx %arg7[%shift_right_logical3A_82], %gather3A_83 {add = true} : memref<40960xf32, #tpu.memory_space<vmem>>[vector<16xi32>], vector<16xf32>,
        %scan3A_84 = arith.constant 3 : i32
        %scan3A_85 = arith.addi %scan3A_38, %scan3A_84 : i32
        %mul3A_86 = arith.constant 1 : i32
        %mul3A_87 = arith.muli %scan3A_85, %mul3A_86 : i32
        %add3A_88 = arith.constant 0 : i32
        %add3A_89 = arith.addi %add3A_88, %mul3A_87 : i32
        %mul3A_90 = arith.constant 16 : i32
        %mul3A_91 = arith.muli %add3A_89, %mul3A_90 : i32
        %get3A_92 = arith.index_cast %mul3A_91 : i32 to index
        %get3A_93 = tpu.vector_load %arg8[%get3A_92] {strides = array<i32>} : memref<16000xi32, #tpu.memory_space<vmem>>, vector<16xi32>,
        %and3A_94 = arith.constant 65535 : i32
        %and3A_95 = vector.broadcast %and3A_94 : i32 to vector<16xi32>
        %and3A_96 = arith.andi %get3A_93, %and3A_95 : vector<16xi32>
        %shift_right_logical3A_97 = arith.constant 16 : i32
        %shift_right_logical3A_98 = vector.broadcast %shift_right_logical3A_97 : i32 to vector<16xi32>
        %shift_right_logical3A_99 = arith.shrui %get3A_93, %shift_right_logical3A_98 : vector<16xi32>
        %gather3A_100 = tpu.vector_load_idx %arg6[%and3A_96] : memref<40960xf32, #tpu.memory_space<vmem>>[vector<16xi32>], vector<16xf32>,
        tpu.vector_store_idx %arg7[%shift_right_logical3A_99], %gather3A_100 {add = true} : memref<40960xf32, #tpu.memory_space<vmem>>[vector<16xi32>], vector<16xf32>,
        %scan3A_101 = arith.constant 4 : i32
        %scan3A_102 = arith.addi %scan3A_38, %scan3A_101 : i32
        %mul3A_103 = arith.constant 1 : i32
        %mul3A_104 = arith.muli %scan3A_102, %mul3A_103 : i32
        %add3A_105 = arith.constant 0 : i32
        %add3A_106 = arith.addi %add3A_105, %mul3A_104 : i32
        %mul3A_107 = arith.constant 16 : i32
        %mul3A_108 = arith.muli %add3A_106, %mul3A_107 : i32
        %get3A_109 = arith.index_cast %mul3A_108 : i32 to index
        %get3A_110 = tpu.vector_load %arg8[%get3A_109] {strides = array<i32>} : memref<16000xi32, #tpu.memory_space<vmem>>, vector<16xi32>,
        %and3A_111 = arith.constant 65535 : i32
        %and3A_112 = vector.broadcast %and3A_111 : i32 to vector<16xi32>
        %and3A_113 = arith.andi %get3A_110, %and3A_112 : vector<16xi32>
        %shift_right_logical3A_114 = arith.constant 16 : i32
        %shift_right_logical3A_115 = vector.broadcast %shift_right_logical3A_114 : i32 to vector<16xi32>
        %shift_right_logical3A_116 = arith.shrui %get3A_110, %shift_right_logical3A_115 : vector<16xi32>
        %gather3A_117 = tpu.vector_load_idx %arg6[%and3A_113] : memref<40960xf32, #tpu.memory_space<vmem>>[vector<16xi32>], vector<16xf32>,
        tpu.vector_store_idx %arg7[%shift_right_logical3A_116], %gather3A_117 {add = true} : memref<40960xf32, #tpu.memory_space<vmem>>[vector<16xi32>], vector<16xf32>,
        %scan3A_118 = arith.constant 5 : i32
        %scan3A_119 = arith.addi %scan3A_38, %scan3A_118 : i32
        %mul3A_120 = arith.constant 1 : i32
        %mul3A_121 = arith.muli %scan3A_119, %mul3A_120 : i32
        %add3A_122 = arith.constant 0 : i32
        %add3A_123 = arith.addi %add3A_122, %mul3A_121 : i32
        %mul3A_124 = arith.constant 16 : i32
        %mul3A_125 = arith.muli %add3A_123, %mul3A_124 : i32
        %get3A_126 = arith.index_cast %mul3A_125 : i32 to index
        %get3A_127 = tpu.vector_load %arg8[%get3A_126] {strides = array<i32>} : memref<16000xi32, #tpu.memory_space<vmem>>, vector<16xi32>,
        %and3A_128 = arith.constant 65535 : i32
        %and3A_129 = vector.broadcast %and3A_128 : i32 to vector<16xi32>
        %and3A_130 = arith.andi %get3A_127, %and3A_129 : vector<16xi32>
        %shift_right_logical3A_131 = arith.constant 16 : i32
        %shift_right_logical3A_132 = vector.broadcast %shift_right_logical3A_131 : i32 to vector<16xi32>
        %shift_right_logical3A_133 = arith.shrui %get3A_127, %shift_right_logical3A_132 : vector<16xi32>
        %gather3A_134 = tpu.vector_load_idx %arg6[%and3A_130] : memref<40960xf32, #tpu.memory_space<vmem>>[vector<16xi32>], vector<16xf32>,
        tpu.vector_store_idx %arg7[%shift_right_logical3A_133], %gather3A_134 {add = true} : memref<40960xf32, #tpu.memory_space<vmem>>[vector<16xi32>], vector<16xf32>,
        %scan3A_135 = arith.constant 6 : i32
        %scan3A_136 = arith.addi %scan3A_38, %scan3A_135 : i32
        %mul3A_137 = arith.constant 1 : i32
        %mul3A_138 = arith.muli %scan3A_136, %mul3A_137 : i32
        %add3A_139 = arith.constant 0 : i32
        %add3A_140 = arith.addi %add3A_139, %mul3A_138 : i32
        %mul3A_141 = arith.constant 16 : i32
        %mul3A_142 = arith.muli %add3A_140, %mul3A_141 : i32
        %get3A_143 = arith.index_cast %mul3A_142 : i32 to index
        %get3A_144 = tpu.vector_load %arg8[%get3A_143] {strides = array<i32>} : memref<16000xi32, #tpu.memory_space<vmem>>, vector<16xi32>,
        %and3A_145 = arith.constant 65535 : i32
        %and3A_146 = vector.broadcast %and3A_145 : i32 to vector<16xi32>
        %and3A_147 = arith.andi %get3A_144, %and3A_146 : vector<16xi32>
        %shift_right_logical3A_148 = arith.constant 16 : i32
        %shift_right_logical3A_149 = vector.broadcast %shift_right_logical3A_148 : i32 to vector<16xi32>
        %shift_right_logical3A_150 = arith.shrui %get3A_144, %shift_right_logical3A_149 : vector<16xi32>
        %gather3A_151 = tpu.vector_load_idx %arg6[%and3A_147] : memref<40960xf32, #tpu.memory_space<vmem>>[vector<16xi32>], vector<16xf32>,
        tpu.vector_store_idx %arg7[%shift_right_logical3A_150], %gather3A_151 {add = true} : memref<40960xf32, #tpu.memory_space<vmem>>[vector<16xi32>], vector<16xf32>,
        %scan3A_152 = arith.constant 7 : i32
        %scan3A_153 = arith.addi %scan3A_38, %scan3A_152 : i32
        %mul3A_154 = arith.constant 1 : i32
        %mul3A_155 = arith.muli %scan3A_153, %mul3A_154 : i32
        %add3A_156 = arith.constant 0 : i32
        %add3A_157 = arith.addi %add3A_156, %mul3A_155 : i32
        %mul3A_158 = arith.constant 16 : i32
        %mul3A_159 = arith.muli %add3A_157, %mul3A_158 : i32
        %get3A_160 = arith.index_cast %mul3A_159 : i32 to index
        %get3A_161 = tpu.vector_load %arg8[%get3A_160] {strides = array<i32>} : memref<16000xi32, #tpu.memory_space<vmem>>, vector<16xi32>,
        %and3A_162 = arith.constant 65535 : i32
        %and3A_163 = vector.broadcast %and3A_162 : i32 to vector<16xi32>
        %and3A_164 = arith.andi %get3A_161, %and3A_163 : vector<16xi32>
        %shift_right_logical3A_165 = arith.constant 16 : i32
        %shift_right_logical3A_166 = vector.broadcast %shift_right_logical3A_165 : i32 to vector<16xi32>
        %shift_right_logical3A_167 = arith.shrui %get3A_161, %shift_right_logical3A_166 : vector<16xi32>
        %gather3A_168 = tpu.vector_load_idx %arg6[%and3A_164] : memref<40960xf32, #tpu.memory_space<vmem>>[vector<16xi32>], vector<16xf32>,
        tpu.vector_store_idx %arg7[%shift_right_logical3A_167], %gather3A_168 {add = true} : memref<40960xf32, #tpu.memory_space<vmem>>[vector<16xi32>], vector<16xf32>,
      }
      %scan3A_37 = arith.constant 1000 : i32
    }
    %scan3A_10 = arith.constant 40 : i32
    %mul3A_11 = arith.constant 40960 : i32
    %mul3A_12 = arith.muli %add3A_4, %mul3A_11 : i32
    "tpu.region"() ({
      %run_scoped3A = tpu.sem_alloc : memref<!tpu.dma_semaphore, #tpu.memory_space<semaphore_mem>>
      %dma_start3A = tpu.memref_slice %arg5[%mul3A_12] : memref<2621440xf32, #tpu.memory_space<hbm>> -> memref<40960xf32, #tpu.memory_space<hbm>>
      %dma_start3A_26 = tpu.memref_slice %arg5[%mul3A_12] : memref<2621440xf32, #tpu.memory_space<hbm>> -> memref<40960xf32, #tpu.memory_space<hbm>>
      tpu.enqueue_dma source(%arg7 : memref<40960xf32, #tpu.memory_space<vmem>>) target(%dma_start3A_26 : memref<40960xf32, #tpu.memory_space<hbm>>) target_semaphore(%run_scoped3A : memref<!tpu.dma_semaphore, #tpu.memory_space<semaphore_mem>>)
      %dma_wait3A = tpu.memref_slice %arg5[%mul3A_12] : memref<2621440xf32, #tpu.memory_space<hbm>> -> memref<40960xf32, #tpu.memory_space<hbm>>
      %dma_wait3A_27 = tpu.memref_slice %arg5[%mul3A_12] : memref<2621440xf32, #tpu.memory_space<hbm>> -> memref<40960xf32, #tpu.memory_space<hbm>>
      tpu.wait_dma2 semaphore(%run_scoped3A : memref<!tpu.dma_semaphore, #tpu.memory_space<semaphore_mem>>) src(%arg7 : memref<40960xf32, #tpu.memory_space<vmem>>) dst(%dma_wait3A_27 : memref<40960xf32, #tpu.memory_space<hbm>>)
      tpu.yield
    }) : () -> ()
    %mul3A_13 = arith.constant 2 : i32
    %mul3A_14 = arith.muli %add3A, %mul3A_13 : i32
    %add3A_15 = arith.constant 1 : i32
    %add3A_16 = arith.addi %mul3A_14, %add3A_15 : i32
    %mul3A_17 = arith.constant 40960 : i32
    %mul3A_18 = arith.muli %add3A_16, %mul3A_17 : i32
    "tpu.region"() ({
      %run_scoped3A = tpu.sem_alloc : memref<!tpu.dma_semaphore, #tpu.memory_space<semaphore_mem>>
      %dma_start3A = tpu.memref_slice %arg2[%mul3A_18] : memref<2621440xf32, #tpu.memory_space<hbm>> -> memref<40960xf32, #tpu.memory_space<hbm>>
      %dma_start3A_26 = tpu.memref_slice %arg2[%mul3A_18] : memref<2621440xf32, #tpu.memory_space<hbm>> -> memref<40960xf32, #tpu.memory_space<hbm>>
      tpu.enqueue_dma source(%dma_start3A_26 : memref<40960xf32, #tpu.memory_space<hbm>>) target(%arg6 : memref<40960xf32, #tpu.memory_space<vmem>>) target_semaphore(%run_scoped3A : memref<!tpu.dma_semaphore, #tpu.memory_space<semaphore_mem>>)
      %dma_wait3A = tpu.memref_slice %arg2[%mul3A_18] : memref<2621440xf32, #tpu.memory_space<hbm>> -> memref<40960xf32, #tpu.memory_space<hbm>>
      %dma_wait3A_27 = tpu.memref_slice %arg2[%mul3A_18] : memref<2621440xf32, #tpu.memory_space<hbm>> -> memref<40960xf32, #tpu.memory_space<hbm>>
      tpu.wait_dma2 semaphore(%run_scoped3A : memref<!tpu.dma_semaphore, #tpu.memory_space<semaphore_mem>>) src(%dma_wait3A_27 : memref<40960xf32, #tpu.memory_space<hbm>>) dst(%arg6 : memref<40960xf32, #tpu.memory_space<vmem>>)
      tpu.yield
    }) : () -> ()
    "tpu.region"() ({
      %run_scoped3A = tpu.sem_alloc : memref<!tpu.dma_semaphore, #tpu.memory_space<semaphore_mem>>
      tpu.enqueue_dma source(%arg4 : memref<40960xf32, #tpu.memory_space<hbm>>) target(%arg7 : memref<40960xf32, #tpu.memory_space<vmem>>) target_semaphore(%run_scoped3A : memref<!tpu.dma_semaphore, #tpu.memory_space<semaphore_mem>>)
      tpu.wait_dma2 semaphore(%run_scoped3A : memref<!tpu.dma_semaphore, #tpu.memory_space<semaphore_mem>>) src(%arg4 : memref<40960xf32, #tpu.memory_space<hbm>>) dst(%arg7 : memref<40960xf32, #tpu.memory_space<vmem>>)
      tpu.yield
    }) : () -> ()
    %scan3A_19 = arith.constant 0 : i32
    %scan3A_20 = arith.constant 40 : i32
    %scan3A_21 = arith.addi %scan3A_19, %scan3A_20 : i32
    %scan3A_22 = arith.constant 1 : i32
    scf.for %scan3A_26 = %scan3A_19 to %scan3A_21 step %scan3A_22  : i32 {
      %mul3A_27 = arith.constant 1 : i32
      %mul3A_28 = arith.muli %scan3A_26, %mul3A_27 : i32
      %add3A_29 = arith.constant 0 : i32
      %add3A_30 = arith.addi %add3A_29, %mul3A_28 : i32
      %mul3A_31 = arith.constant 16000 : i32
      %mul3A_32 = arith.muli %add3A_30, %mul3A_31 : i32
      "tpu.region"() ({
        %run_scoped3A = tpu.sem_alloc : memref<!tpu.dma_semaphore, #tpu.memory_space<semaphore_mem>>
        %dma_start3A = tpu.memref_slice %arg3[%mul3A_32] : memref<640000xi32, #tpu.memory_space<hbm>> -> memref<16000xi32, #tpu.memory_space<hbm>>
        %dma_start3A_38 = tpu.memref_slice %arg3[%mul3A_32] : memref<640000xi32, #tpu.memory_space<hbm>> -> memref<16000xi32, #tpu.memory_space<hbm>>
        tpu.enqueue_dma source(%dma_start3A_38 : memref<16000xi32, #tpu.memory_space<hbm>>) target(%arg8 : memref<16000xi32, #tpu.memory_space<vmem>>) target_semaphore(%run_scoped3A : memref<!tpu.dma_semaphore, #tpu.memory_space<semaphore_mem>>)
        %dma_wait3A = tpu.memref_slice %arg3[%mul3A_32] : memref<640000xi32, #tpu.memory_space<hbm>> -> memref<16000xi32, #tpu.memory_space<hbm>>
        %dma_wait3A_39 = tpu.memref_slice %arg3[%mul3A_32] : memref<640000xi32, #tpu.memory_space<hbm>> -> memref<16000xi32, #tpu.memory_space<hbm>>
        tpu.wait_dma2 semaphore(%run_scoped3A : memref<!tpu.dma_semaphore, #tpu.memory_space<semaphore_mem>>) src(%dma_wait3A_39 : memref<16000xi32, #tpu.memory_space<hbm>>) dst(%arg8 : memref<16000xi32, #tpu.memory_space<vmem>>)
        tpu.yield
      }) : () -> ()
      %scan3A_33 = arith.constant 0 : i32
      %scan3A_34 = arith.constant 1000 : i32
      %scan3A_35 = arith.addi %scan3A_33, %scan3A_34 : i32
      %scan3A_36 = arith.constant 8 : i32
      scf.for %scan3A_38 = %scan3A_33 to %scan3A_35 step %scan3A_36  : i32 {
        %mul3A_39 = arith.constant 1 : i32
        %mul3A_40 = arith.muli %scan3A_38, %mul3A_39 : i32
        %add3A_41 = arith.constant 0 : i32
        %add3A_42 = arith.addi %add3A_41, %mul3A_40 : i32
        %mul3A_43 = arith.constant 16 : i32
        %mul3A_44 = arith.muli %add3A_42, %mul3A_43 : i32
        %get3A = arith.index_cast %mul3A_44 : i32 to index
        %get3A_45 = tpu.vector_load %arg8[%get3A] {strides = array<i32>} : memref<16000xi32, #tpu.memory_space<vmem>>, vector<16xi32>,
        %and3A = arith.constant 65535 : i32
        %and3A_46 = vector.broadcast %and3A : i32 to vector<16xi32>
        %and3A_47 = arith.andi %get3A_45, %and3A_46 : vector<16xi32>
        %shift_right_logical3A = arith.constant 16 : i32
        %shift_right_logical3A_48 = vector.broadcast %shift_right_logical3A : i32 to vector<16xi32>
        %shift_right_logical3A_49 = arith.shrui %get3A_45, %shift_right_logical3A_48 : vector<16xi32>
        %gather3A = tpu.vector_load_idx %arg6[%and3A_47] : memref<40960xf32, #tpu.memory_space<vmem>>[vector<16xi32>], vector<16xf32>,
        tpu.vector_store_idx %arg7[%shift_right_logical3A_49], %gather3A {add = true} : memref<40960xf32, #tpu.memory_space<vmem>>[vector<16xi32>], vector<16xf32>,
        %scan3A_50 = arith.constant 1 : i32
        %scan3A_51 = arith.addi %scan3A_38, %scan3A_50 : i32
        %mul3A_52 = arith.constant 1 : i32
        %mul3A_53 = arith.muli %scan3A_51, %mul3A_52 : i32
        %add3A_54 = arith.constant 0 : i32
        %add3A_55 = arith.addi %add3A_54, %mul3A_53 : i32
        %mul3A_56 = arith.constant 16 : i32
        %mul3A_57 = arith.muli %add3A_55, %mul3A_56 : i32
        %get3A_58 = arith.index_cast %mul3A_57 : i32 to index
        %get3A_59 = tpu.vector_load %arg8[%get3A_58] {strides = array<i32>} : memref<16000xi32, #tpu.memory_space<vmem>>, vector<16xi32>,
        %and3A_60 = arith.constant 65535 : i32
        %and3A_61 = vector.broadcast %and3A_60 : i32 to vector<16xi32>
        %and3A_62 = arith.andi %get3A_59, %and3A_61 : vector<16xi32>
        %shift_right_logical3A_63 = arith.constant 16 : i32
        %shift_right_logical3A_64 = vector.broadcast %shift_right_logical3A_63 : i32 to vector<16xi32>
        %shift_right_logical3A_65 = arith.shrui %get3A_59, %shift_right_logical3A_64 : vector<16xi32>
        %gather3A_66 = tpu.vector_load_idx %arg6[%and3A_62] : memref<40960xf32, #tpu.memory_space<vmem>>[vector<16xi32>], vector<16xf32>,
        tpu.vector_store_idx %arg7[%shift_right_logical3A_65], %gather3A_66 {add = true} : memref<40960xf32, #tpu.memory_space<vmem>>[vector<16xi32>], vector<16xf32>,
        %scan3A_67 = arith.constant 2 : i32
        %scan3A_68 = arith.addi %scan3A_38, %scan3A_67 : i32
        %mul3A_69 = arith.constant 1 : i32
        %mul3A_70 = arith.muli %scan3A_68, %mul3A_69 : i32
        %add3A_71 = arith.constant 0 : i32
        %add3A_72 = arith.addi %add3A_71, %mul3A_70 : i32
        %mul3A_73 = arith.constant 16 : i32
        %mul3A_74 = arith.muli %add3A_72, %mul3A_73 : i32
        %get3A_75 = arith.index_cast %mul3A_74 : i32 to index
        %get3A_76 = tpu.vector_load %arg8[%get3A_75] {strides = array<i32>} : memref<16000xi32, #tpu.memory_space<vmem>>, vector<16xi32>,
        %and3A_77 = arith.constant 65535 : i32
        %and3A_78 = vector.broadcast %and3A_77 : i32 to vector<16xi32>
        %and3A_79 = arith.andi %get3A_76, %and3A_78 : vector<16xi32>
        %shift_right_logical3A_80 = arith.constant 16 : i32
        %shift_right_logical3A_81 = vector.broadcast %shift_right_logical3A_80 : i32 to vector<16xi32>
        %shift_right_logical3A_82 = arith.shrui %get3A_76, %shift_right_logical3A_81 : vector<16xi32>
        %gather3A_83 = tpu.vector_load_idx %arg6[%and3A_79] : memref<40960xf32, #tpu.memory_space<vmem>>[vector<16xi32>], vector<16xf32>,
        tpu.vector_store_idx %arg7[%shift_right_logical3A_82], %gather3A_83 {add = true} : memref<40960xf32, #tpu.memory_space<vmem>>[vector<16xi32>], vector<16xf32>,
        %scan3A_84 = arith.constant 3 : i32
        %scan3A_85 = arith.addi %scan3A_38, %scan3A_84 : i32
        %mul3A_86 = arith.constant 1 : i32
        %mul3A_87 = arith.muli %scan3A_85, %mul3A_86 : i32
        %add3A_88 = arith.constant 0 : i32
        %add3A_89 = arith.addi %add3A_88, %mul3A_87 : i32
        %mul3A_90 = arith.constant 16 : i32
        %mul3A_91 = arith.muli %add3A_89, %mul3A_90 : i32
        %get3A_92 = arith.index_cast %mul3A_91 : i32 to index
        %get3A_93 = tpu.vector_load %arg8[%get3A_92] {strides = array<i32>} : memref<16000xi32, #tpu.memory_space<vmem>>, vector<16xi32>,
        %and3A_94 = arith.constant 65535 : i32
        %and3A_95 = vector.broadcast %and3A_94 : i32 to vector<16xi32>
        %and3A_96 = arith.andi %get3A_93, %and3A_95 : vector<16xi32>
        %shift_right_logical3A_97 = arith.constant 16 : i32
        %shift_right_logical3A_98 = vector.broadcast %shift_right_logical3A_97 : i32 to vector<16xi32>
        %shift_right_logical3A_99 = arith.shrui %get3A_93, %shift_right_logical3A_98 : vector<16xi32>
        %gather3A_100 = tpu.vector_load_idx %arg6[%and3A_96] : memref<40960xf32, #tpu.memory_space<vmem>>[vector<16xi32>], vector<16xf32>,
        tpu.vector_store_idx %arg7[%shift_right_logical3A_99], %gather3A_100 {add = true} : memref<40960xf32, #tpu.memory_space<vmem>>[vector<16xi32>], vector<16xf32>,
        %scan3A_101 = arith.constant 4 : i32
        %scan3A_102 = arith.addi %scan3A_38, %scan3A_101 : i32
        %mul3A_103 = arith.constant 1 : i32
        %mul3A_104 = arith.muli %scan3A_102, %mul3A_103 : i32
        %add3A_105 = arith.constant 0 : i32
        %add3A_106 = arith.addi %add3A_105, %mul3A_104 : i32
        %mul3A_107 = arith.constant 16 : i32
        %mul3A_108 = arith.muli %add3A_106, %mul3A_107 : i32
        %get3A_109 = arith.index_cast %mul3A_108 : i32 to index
        %get3A_110 = tpu.vector_load %arg8[%get3A_109] {strides = array<i32>} : memref<16000xi32, #tpu.memory_space<vmem>>, vector<16xi32>,
        %and3A_111 = arith.constant 65535 : i32
        %and3A_112 = vector.broadcast %and3A_111 : i32 to vector<16xi32>
        %and3A_113 = arith.andi %get3A_110, %and3A_112 : vector<16xi32>
        %shift_right_logical3A_114 = arith.constant 16 : i32
        %shift_right_logical3A_115 = vector.broadcast %shift_right_logical3A_114 : i32 to vector<16xi32>
        %shift_right_logical3A_116 = arith.shrui %get3A_110, %shift_right_logical3A_115 : vector<16xi32>
        %gather3A_117 = tpu.vector_load_idx %arg6[%and3A_113] : memref<40960xf32, #tpu.memory_space<vmem>>[vector<16xi32>], vector<16xf32>,
        tpu.vector_store_idx %arg7[%shift_right_logical3A_116], %gather3A_117 {add = true} : memref<40960xf32, #tpu.memory_space<vmem>>[vector<16xi32>], vector<16xf32>,
        %scan3A_118 = arith.constant 5 : i32
        %scan3A_119 = arith.addi %scan3A_38, %scan3A_118 : i32
        %mul3A_120 = arith.constant 1 : i32
        %mul3A_121 = arith.muli %scan3A_119, %mul3A_120 : i32
        %add3A_122 = arith.constant 0 : i32
        %add3A_123 = arith.addi %add3A_122, %mul3A_121 : i32
        %mul3A_124 = arith.constant 16 : i32
        %mul3A_125 = arith.muli %add3A_123, %mul3A_124 : i32
        %get3A_126 = arith.index_cast %mul3A_125 : i32 to index
        %get3A_127 = tpu.vector_load %arg8[%get3A_126] {strides = array<i32>} : memref<16000xi32, #tpu.memory_space<vmem>>, vector<16xi32>,
        %and3A_128 = arith.constant 65535 : i32
        %and3A_129 = vector.broadcast %and3A_128 : i32 to vector<16xi32>
        %and3A_130 = arith.andi %get3A_127, %and3A_129 : vector<16xi32>
        %shift_right_logical3A_131 = arith.constant 16 : i32
        %shift_right_logical3A_132 = vector.broadcast %shift_right_logical3A_131 : i32 to vector<16xi32>
        %shift_right_logical3A_133 = arith.shrui %get3A_127, %shift_right_logical3A_132 : vector<16xi32>
        %gather3A_134 = tpu.vector_load_idx %arg6[%and3A_130] : memref<40960xf32, #tpu.memory_space<vmem>>[vector<16xi32>], vector<16xf32>,
        tpu.vector_store_idx %arg7[%shift_right_logical3A_133], %gather3A_134 {add = true} : memref<40960xf32, #tpu.memory_space<vmem>>[vector<16xi32>], vector<16xf32>,
        %scan3A_135 = arith.constant 6 : i32
        %scan3A_136 = arith.addi %scan3A_38, %scan3A_135 : i32
        %mul3A_137 = arith.constant 1 : i32
        %mul3A_138 = arith.muli %scan3A_136, %mul3A_137 : i32
        %add3A_139 = arith.constant 0 : i32
        %add3A_140 = arith.addi %add3A_139, %mul3A_138 : i32
        %mul3A_141 = arith.constant 16 : i32
        %mul3A_142 = arith.muli %add3A_140, %mul3A_141 : i32
        %get3A_143 = arith.index_cast %mul3A_142 : i32 to index
        %get3A_144 = tpu.vector_load %arg8[%get3A_143] {strides = array<i32>} : memref<16000xi32, #tpu.memory_space<vmem>>, vector<16xi32>,
        %and3A_145 = arith.constant 65535 : i32
        %and3A_146 = vector.broadcast %and3A_145 : i32 to vector<16xi32>
        %and3A_147 = arith.andi %get3A_144, %and3A_146 : vector<16xi32>
        %shift_right_logical3A_148 = arith.constant 16 : i32
        %shift_right_logical3A_149 = vector.broadcast %shift_right_logical3A_148 : i32 to vector<16xi32>
        %shift_right_logical3A_150 = arith.shrui %get3A_144, %shift_right_logical3A_149 : vector<16xi32>
        %gather3A_151 = tpu.vector_load_idx %arg6[%and3A_147] : memref<40960xf32, #tpu.memory_space<vmem>>[vector<16xi32>], vector<16xf32>,
        tpu.vector_store_idx %arg7[%shift_right_logical3A_150], %gather3A_151 {add = true} : memref<40960xf32, #tpu.memory_space<vmem>>[vector<16xi32>], vector<16xf32>,
        %scan3A_152 = arith.constant 7 : i32
        %scan3A_153 = arith.addi %scan3A_38, %scan3A_152 : i32
        %mul3A_154 = arith.constant 1 : i32
        %mul3A_155 = arith.muli %scan3A_153, %mul3A_154 : i32
        %add3A_156 = arith.constant 0 : i32
        %add3A_157 = arith.addi %add3A_156, %mul3A_155 : i32
        %mul3A_158 = arith.constant 16 : i32
        %mul3A_159 = arith.muli %add3A_157, %mul3A_158 : i32
        %get3A_160 = arith.index_cast %mul3A_159 : i32 to index
        %get3A_161 = tpu.vector_load %arg8[%get3A_160] {strides = array<i32>} : memref<16000xi32, #tpu.memory_space<vmem>>, vector<16xi32>,
        %and3A_162 = arith.constant 65535 : i32
        %and3A_163 = vector.broadcast %and3A_162 : i32 to vector<16xi32>
        %and3A_164 = arith.andi %get3A_161, %and3A_163 : vector<16xi32>
        %shift_right_logical3A_165 = arith.constant 16 : i32
        %shift_right_logical3A_166 = vector.broadcast %shift_right_logical3A_165 : i32 to vector<16xi32>
        %shift_right_logical3A_167 = arith.shrui %get3A_161, %shift_right_logical3A_166 : vector<16xi32>
        %gather3A_168 = tpu.vector_load_idx %arg6[%and3A_164] : memref<40960xf32, #tpu.memory_space<vmem>>[vector<16xi32>], vector<16xf32>,
        tpu.vector_store_idx %arg7[%shift_right_logical3A_167], %gather3A_168 {add = true} : memref<40960xf32, #tpu.memory_space<vmem>>[vector<16xi32>], vector<16xf32>,
      }
      %scan3A_37 = arith.constant 1000 : i32
    }
    %scan3A_23 = arith.constant 40 : i32
    %mul3A_24 = arith.constant 40960 : i32
    %mul3A_25 = arith.muli %add3A_16, %mul3A_24 : i32
    "tpu.region"() ({
      %run_scoped3A = tpu.sem_alloc : memref<!tpu.dma_semaphore, #tpu.memory_space<semaphore_mem>>
      %dma_start3A = tpu.memref_slice %arg5[%mul3A_25] : memref<2621440xf32, #tpu.memory_space<hbm>> -> memref<40960xf32, #tpu.memory_space<hbm>>
      %dma_start3A_26 = tpu.memref_slice %arg5[%mul3A_25] : memref<2621440xf32, #tpu.memory_space<hbm>> -> memref<40960xf32, #tpu.memory_space<hbm>>
      tpu.enqueue_dma source(%arg7 : memref<40960xf32, #tpu.memory_space<vmem>>) target(%dma_start3A_26 : memref<40960xf32, #tpu.memory_space<hbm>>) target_semaphore(%run_scoped3A : memref<!tpu.dma_semaphore, #tpu.memory_space<semaphore_mem>>)
      %dma_wait3A = tpu.memref_slice %arg5[%mul3A_25] : memref<2621440xf32, #tpu.memory_space<hbm>> -> memref<40960xf32, #tpu.memory_space<hbm>>
      %dma_wait3A_27 = tpu.memref_slice %arg5[%mul3A_25] : memref<2621440xf32, #tpu.memory_space<hbm>> -> memref<40960xf32, #tpu.memory_space<hbm>>
      tpu.wait_dma2 semaphore(%run_scoped3A : memref<!tpu.dma_semaphore, #tpu.memory_space<semaphore_mem>>) src(%arg7 : memref<40960xf32, #tpu.memory_space<vmem>>) dst(%dma_wait3A_27 : memref<40960xf32, #tpu.memory_space<hbm>>)
      tpu.yield
    }) : () -> ()
    return
  }
}

module attributes {stable_mosaic.version = 14 : i64} {
  func.func @_e2_body(%arg0: i32, %arg1: memref<8x5000xi32, #tpu.memory_space<vmem>>, %arg2: memref<8x5000xi32, #tpu.memory_space<vmem>>, %arg3: memref<8x2x5000xi32, #tpu.memory_space<vmem>>) attributes {dimension_semantics = [#tpu.dimension_semantics<arbitrary>], iteration_bounds = array<i64: 4>, scalar_prefetch = 0 : i64, scratch_operands = 0 : i64, tpu.core_type = #tpu.core_type<tc>, window_params = [{transform_indices = @transform_0, window_bounds = array<i64: 8, 5000>}, {transform_indices = @transform_1, window_bounds = array<i64: 8, 5000>}, {transform_indices = @transform_2, window_bounds = array<i64: 8, 2, 5000>}]} {
    %get3A = arith.constant 0 : index
    %get3A_0 = arith.constant 0 : index
    %get3A_1 = vector.load %arg1[%get3A, %get3A_0] : memref<8x5000xi32, #tpu.memory_space<vmem>>, vector<8x5000xi32>
    %swap3A = arith.constant 0 : index
    %swap3A_2 = arith.constant 0 : index
    %swap3A_3 = arith.constant 0 : index
    %swap3A_4 = vector.load %arg3[%swap3A, %swap3A_2, %swap3A_3] : memref<8x2x5000xi32, #tpu.memory_space<vmem>>, vector<8x1x5000xi32>
    %swap3A_5 = vector.shape_cast %swap3A_4 : vector<8x1x5000xi32> to vector<8x5000xi32>
    %swap3A_6 = vector.shape_cast %get3A_1 : vector<8x5000xi32> to vector<8x1x5000xi32>
    tpu.vector_store %arg3[%swap3A, %swap3A_2, %swap3A_3], %swap3A_6 {strides = array<i32>} : memref<8x2x5000xi32, #tpu.memory_space<vmem>>, vector<8x1x5000xi32>,
    %get3A_7 = arith.constant 0 : index
    %get3A_8 = arith.constant 0 : index
    %get3A_9 = vector.load %arg2[%get3A_7, %get3A_8] : memref<8x5000xi32, #tpu.memory_space<vmem>>, vector<8x5000xi32>
    %add3A = arith.constant 10000 : i32
    %add3A_10 = vector.broadcast %add3A : i32 to vector<8x5000xi32>
    %add3A_11 = arith.addi %get3A_9, %add3A_10 : vector<8x5000xi32>
    %swap3A_12 = arith.constant 0 : index
    %swap3A_13 = arith.constant 1 : index
    %swap3A_14 = arith.constant 0 : index
    %swap3A_15 = vector.load %arg3[%swap3A_12, %swap3A_13, %swap3A_14] : memref<8x2x5000xi32, #tpu.memory_space<vmem>>, vector<8x1x5000xi32>
    %swap3A_16 = vector.shape_cast %swap3A_15 : vector<8x1x5000xi32> to vector<8x5000xi32>
    %swap3A_17 = vector.shape_cast %add3A_11 : vector<8x5000xi32> to vector<8x1x5000xi32>
    tpu.vector_store %arg3[%swap3A_12, %swap3A_13, %swap3A_14], %swap3A_17 {strides = array<i32>} : memref<8x2x5000xi32, #tpu.memory_space<vmem>>, vector<8x1x5000xi32>,
    return
  }
  func.func @transform_0(%arg0: i32) -> (i32, i32) {
    %c0_i32 = arith.constant 0 : i32
    %c0_i32_0 = arith.constant 0 : i32
    return %arg0, %c0_i32 : i32, i32
  }
  func.func @transform_1(%arg0: i32) -> (i32, i32) {
    %c0_i32 = arith.constant 0 : i32
    %c0_i32_0 = arith.constant 0 : i32
    return %arg0, %c0_i32 : i32, i32
  }
  func.func @transform_2(%arg0: i32) -> (i32, i32, i32) {
    %c0_i32 = arith.constant 0 : i32
    %c0_i32_0 = arith.constant 0 : i32
    %c0_i32_1 = arith.constant 0 : i32
    return %arg0, %c0_i32, %c0_i32_0 : i32, i32, i32
  }
}

module attributes {stable_mosaic.version = 14 : i64} {
  func.func @_pk_body(%arg0: i32, %arg1: memref<8x20000xi32, #tpu.memory_space<vmem>>, %arg2: memref<8x20000xi32, #tpu.memory_space<vmem>>, %arg3: memref<4x8x20000xi32, #tpu.memory_space<vmem>>) attributes {dimension_semantics = [#tpu.dimension_semantics<arbitrary>], iteration_bounds = array<i64: 1>, scalar_prefetch = 0 : i64, scratch_operands = 0 : i64, tpu.core_type = #tpu.core_type<tc>, window_params = [{pipeline_mode = #tpu.pipeline_mode<synchronous>, transform_indices = @transform_0, window_bounds = array<i64: 8, 20000>}, {pipeline_mode = #tpu.pipeline_mode<synchronous>, transform_indices = @transform_1, window_bounds = array<i64: 8, 20000>}, {pipeline_mode = #tpu.pipeline_mode<synchronous>, transform_indices = @transform_2, window_bounds = array<i64: 4, 8, 20000>}]} {
    %iota3A = tpu.iota {dimensions = array<i32: 0>} : vector<4x8x20000xi32>
    %mul3A = arith.constant 10240 : i32
    %mul3A_0 = vector.broadcast %mul3A : i32 to vector<4x8x20000xi32>
    %mul3A_1 = arith.muli %iota3A, %mul3A_0 : vector<4x8x20000xi32>
    %get3A = arith.constant 0 : index
    %get3A_2 = arith.constant 0 : index
    %get3A_3 = vector.load %arg1[%get3A, %get3A_2] : memref<8x20000xi32, #tpu.memory_space<vmem>>, vector<8x20000xi32>
    %broadcast_in_dim3A = vector.shape_cast %get3A_3 : vector<8x20000xi32> to vector<1x8x20000xi32>
    %add3A = vector.broadcast %broadcast_in_dim3A : vector<1x8x20000xi32> to vector<4x8x20000xi32>
    %add3A_4 = arith.addi %add3A, %mul3A_1 : vector<4x8x20000xi32>
    %get3A_5 = arith.constant 0 : index
    %get3A_6 = arith.constant 0 : index
    %get3A_7 = vector.load %arg2[%get3A_5, %get3A_6] : memref<8x20000xi32, #tpu.memory_space<vmem>>, vector<8x20000xi32>
    %broadcast_in_dim3A_8 = vector.shape_cast %get3A_7 : vector<8x20000xi32> to vector<1x8x20000xi32>
    %add3A_9 = vector.broadcast %broadcast_in_dim3A_8 : vector<1x8x20000xi32> to vector<4x8x20000xi32>
    %add3A_10 = arith.addi %add3A_9, %mul3A_1 : vector<4x8x20000xi32>
    %shift_left3A = arith.constant 16 : i32
    %shift_left3A_11 = vector.broadcast %shift_left3A : i32 to vector<4x8x20000xi32>
    %shift_left3A_12 = arith.shli %add3A_10, %shift_left3A_11 : vector<4x8x20000xi32>
    %or3A = arith.ori %add3A_4, %shift_left3A_12 : vector<4x8x20000xi32>
    %swap3A = arith.constant 0 : index
    %swap3A_13 = arith.constant 0 : index
    %swap3A_14 = arith.constant 0 : index
    %swap3A_15 = vector.load %arg3[%swap3A, %swap3A_13, %swap3A_14] : memref<4x8x20000xi32, #tpu.memory_space<vmem>>, vector<4x8x20000xi32>
    tpu.vector_store %arg3[%swap3A, %swap3A_13, %swap3A_14], %or3A {strides = array<i32>} : memref<4x8x20000xi32, #tpu.memory_space<vmem>>, vector<4x8x20000xi32>,
    return
  }
  func.func @transform_0(%arg0: i32) -> (i32, i32) {
    %c0_i32 = arith.constant 0 : i32
    %c0_i32_0 = arith.constant 0 : i32
    %c0_i32_1 = arith.constant 0 : i32
    return %c0_i32, %c0_i32_0 : i32, i32
  }
  func.func @transform_1(%arg0: i32) -> (i32, i32) {
    %c0_i32 = arith.constant 0 : i32
    %c0_i32_0 = arith.constant 0 : i32
    %c0_i32_1 = arith.constant 0 : i32
    return %c0_i32, %c0_i32_0 : i32, i32
  }
  func.func @transform_2(%arg0: i32) -> (i32, i32, i32) {
    %c0_i32 = arith.constant 0 : i32
    %c0_i32_0 = arith.constant 0 : i32
    %c0_i32_1 = arith.constant 0 : i32
    %c0_i32_2 = arith.constant 0 : i32
    return %c0_i32, %c0_i32_0, %c0_i32_1 : i32, i32, i32
  }
}

module attributes {stable_mosaic.version = 14 : i64} {
  func.func @_tp_body(%arg0: i32, %arg1: memref<32x2x10000xf32, #tpu.memory_space<vmem>>, %arg2: memref<10000x32xf32, #tpu.memory_space<vmem>>, %arg3: memref<10000x32xf32, #tpu.memory_space<vmem>>) attributes {dimension_semantics = [#tpu.dimension_semantics<arbitrary>], iteration_bounds = array<i64: 1>, scalar_prefetch = 0 : i64, scratch_operands = 0 : i64, tpu.core_type = #tpu.core_type<tc>, window_params = [{pipeline_mode = #tpu.pipeline_mode<synchronous>, transform_indices = @transform_0, window_bounds = array<i64: 32, 2, 10000>}, {pipeline_mode = #tpu.pipeline_mode<synchronous>, transform_indices = @transform_1, window_bounds = array<i64: 10000, 32>}, {pipeline_mode = #tpu.pipeline_mode<synchronous>, transform_indices = @transform_2, window_bounds = array<i64: 10000, 32>}]} {
    %get3A = arith.constant 0 : index
    %get3A_0 = arith.constant 0 : index
    %get3A_1 = arith.constant 0 : index
    %get3A_2 = vector.load %arg1[%get3A, %get3A_0, %get3A_1] : memref<32x2x10000xf32, #tpu.memory_space<vmem>>, vector<32x2x10000xf32>
    %slice3A = vector.extract_strided_slice %get3A_2 {offsets = [0, 0, 0], sizes = [32, 1, 10000], strides = [1, 1, 1]} : vector<32x2x10000xf32> to vector<32x1x10000xf32>
    %squeeze3A = vector.shape_cast %slice3A : vector<32x1x10000xf32> to vector<32x10000xf32>
    %transpose3A = tpu.transpose %squeeze3A, [1, 0] : vector<32x10000xf32> -> vector<10000x32xf32>
    %swap3A = arith.constant 0 : index
    %swap3A_3 = arith.constant 0 : index
    %swap3A_4 = vector.load %arg2[%swap3A, %swap3A_3] : memref<10000x32xf32, #tpu.memory_space<vmem>>, vector<10000x32xf32>
    tpu.vector_store %arg2[%swap3A, %swap3A_3], %transpose3A {strides = array<i32>} : memref<10000x32xf32, #tpu.memory_space<vmem>>, vector<10000x32xf32>,
    %slice3A_5 = vector.extract_strided_slice %get3A_2 {offsets = [0, 1, 0], sizes = [32, 1, 10000], strides = [1, 1, 1]} : vector<32x2x10000xf32> to vector<32x1x10000xf32>
    %squeeze3A_6 = vector.shape_cast %slice3A_5 : vector<32x1x10000xf32> to vector<32x10000xf32>
    %transpose3A_7 = tpu.transpose %squeeze3A_6, [1, 0] : vector<32x10000xf32> -> vector<10000x32xf32>
    %swap3A_8 = arith.constant 0 : index
    %swap3A_9 = arith.constant 0 : index
    %swap3A_10 = vector.load %arg3[%swap3A_8, %swap3A_9] : memref<10000x32xf32, #tpu.memory_space<vmem>>, vector<10000x32xf32>
    tpu.vector_store %arg3[%swap3A_8, %swap3A_9], %transpose3A_7 {strides = array<i32>} : memref<10000x32xf32, #tpu.memory_space<vmem>>, vector<10000x32xf32>,
    return
  }
  func.func @transform_0(%arg0: i32) -> (i32, i32, i32) {
    %c0_i32 = arith.constant 0 : i32
    %c0_i32_0 = arith.constant 0 : i32
    %c0_i32_1 = arith.constant 0 : i32
    %c0_i32_2 = arith.constant 0 : i32
    return %c0_i32, %c0_i32_0, %c0_i32_1 : i32, i32, i32
  }
  func.func @transform_1(%arg0: i32) -> (i32, i32) {
    %c0_i32 = arith.constant 0 : i32
    %c0_i32_0 = arith.constant 0 : i32
    %c0_i32_1 = arith.constant 0 : i32
    return %c0_i32, %c0_i32_0 : i32, i32
  }
  func.func @transform_2(%arg0: i32) -> (i32, i32) {
    %c0_i32 = arith.constant 0 : i32
    %c0_i32_0 = arith.constant 0 : i32
    %c0_i32_1 = arith.constant 0 : i32
    return %c0_i32, %c0_i32_0 : i32, i32
  }
}

module attributes {stable_mosaic.version = 14 : i64} {
  func.func @_mm_body(%arg0: i32, %arg1: memref<1280x256xf32, #tpu.memory_space<vmem>>, %arg2: memref<1280x32xf32, #tpu.memory_space<vmem>>, %arg3: memref<256x256xf32, #tpu.memory_space<vmem>>, %arg4: memref<64x4x1280xf32, #tpu.memory_space<vmem>>) attributes {dimension_semantics = [#tpu.dimension_semantics<arbitrary>], iteration_bounds = array<i64: 8>, scalar_prefetch = 0 : i64, scratch_operands = 0 : i64, tpu.core_type = #tpu.core_type<tc>, window_params = [{transform_indices = @transform_0, window_bounds = array<i64: 1280, 256>}, {transform_indices = @transform_1, window_bounds = array<i64: 1280, 32>}, {pipeline_mode = #tpu.pipeline_mode<synchronous>, transform_indices = @transform_2, window_bounds = array<i64: 256, 256>}, {transform_indices = @transform_3, window_bounds = array<i64: 64, 4, 1280>}]} {
    %get3A = arith.constant 0 : index
    %get3A_0 = arith.constant 0 : index
    %get3A_1 = vector.load %arg2[%get3A, %get3A_0] : memref<1280x32xf32, #tpu.memory_space<vmem>>, vector<1280x32xf32>
    %reduce_sum3A = arith.constant dense<0.000000e+00> : vector<1280xf32>
    %reduce_sum3A_2 = vector.multi_reduction <add>, %get3A_1, %reduce_sum3A [1] : vector<1280x32xf32> to vector<1280xf32>
    %broadcast_in_dim3A = vector.shape_cast %reduce_sum3A_2 : vector<1280xf32> to vector<1280x1xf32>
    %max3A = arith.constant 1.000000e+00 : f32
    %max3A_3 = vector.broadcast %max3A : f32 to vector<1280x1xf32>
    %max3A_4 = arith.maximumf %broadcast_in_dim3A, %max3A_3 : vector<1280x1xf32>
    %rsqrt3A = math.rsqrt %max3A_4 : vector<1280x1xf32>
    %get3A_5 = arith.constant 0 : index
    %get3A_6 = arith.constant 0 : index
    %get3A_7 = vector.load %arg1[%get3A_5, %get3A_6] : memref<1280x256xf32, #tpu.memory_space<vmem>>, vector<1280x256xf32>
    %mul3A = vector.broadcast %rsqrt3A : vector<1280x1xf32> to vector<1280x256xf32>
    %mul3A_8 = arith.mulf %get3A_7, %mul3A : vector<1280x256xf32>
    %get3A_9 = arith.constant 0 : index
    %get3A_10 = arith.constant 0 : index
    %get3A_11 = vector.load %arg3[%get3A_9, %get3A_10] : memref<256x256xf32, #tpu.memory_space<vmem>>, vector<256x256xf32>
    %dot_general3A = arith.constant dense<0.000000e+00> : vector<1280x256xf32>
    %dot_general3A_12 = tpu.matmul %mul3A_8, %get3A_11, %dot_general3A {dimension_numbers = #tpu.dot_dimension_numbers<[1], [0], [0], [1], [0, 0, 1, 1], [], []>, transpose_lhs_hint = false} : vector<1280x256xf32>, vector<256x256xf32>, vector<1280x256xf32> -> vector<1280x256xf32>
    %transpose3A = tpu.transpose %dot_general3A_12, [1, 0] : vector<1280x256xf32> -> vector<256x1280xf32>
    %reshape3A = vector.shape_cast %transpose3A : vector<256x1280xf32> to vector<64x4x1280xf32>
    %swap3A = arith.constant 0 : index
    %swap3A_13 = arith.constant 0 : index
    %swap3A_14 = arith.constant 0 : index
    %swap3A_15 = vector.load %arg4[%swap3A, %swap3A_13, %swap3A_14] : memref<64x4x1280xf32, #tpu.memory_space<vmem>>, vector<64x4x1280xf32>
    tpu.vector_store %arg4[%swap3A, %swap3A_13, %swap3A_14], %reshape3A {strides = array<i32>} : memref<64x4x1280xf32, #tpu.memory_space<vmem>>, vector<64x4x1280xf32>,
    return
  }
  func.func @transform_0(%arg0: i32) -> (i32, i32) {
    %c0_i32 = arith.constant 0 : i32
    %c0_i32_0 = arith.constant 0 : i32
    return %arg0, %c0_i32 : i32, i32
  }
  func.func @transform_1(%arg0: i32) -> (i32, i32) {
    %c0_i32 = arith.constant 0 : i32
    %c0_i32_0 = arith.constant 0 : i32
    return %arg0, %c0_i32 : i32, i32
  }
  func.func @transform_2(%arg0: i32) -> (i32, i32) {
    %c0_i32 = arith.constant 0 : i32
    %c0_i32_0 = arith.constant 0 : i32
    %c0_i32_1 = arith.constant 0 : i32
    return %c0_i32, %c0_i32_0 : i32, i32
  }
  func.func @transform_3(%arg0: i32) -> (i32, i32, i32) {
    %c0_i32 = arith.constant 0 : i32
    %c0_i32_0 = arith.constant 0 : i32
    %c0_i32_1 = arith.constant 0 : i32
    return %c0_i32, %c0_i32_0, %arg0 : i32, i32, i32
  }
}

module attributes {stable_mosaic.version = 14 : i64} {
  func.func @_epi_body(%arg0: i32, %arg1: memref<64x4x1280xf32, #tpu.memory_space<vmem>>, %arg2: memref<1280x32xf32, #tpu.memory_space<vmem>>, %arg3: memref<1x256xf32, #tpu.memory_space<vmem>>, %arg4: memref<1280x256xf32, #tpu.memory_space<vmem>>) attributes {dimension_semantics = [#tpu.dimension_semantics<arbitrary>], iteration_bounds = array<i64: 8>, scalar_prefetch = 0 : i64, scratch_operands = 0 : i64, tpu.core_type = #tpu.core_type<tc>, window_params = [{transform_indices = @transform_0, window_bounds = array<i64: 64, 4, 1280>}, {transform_indices = @transform_1, window_bounds = array<i64: 1280, 32>}, {pipeline_mode = #tpu.pipeline_mode<synchronous>, transform_indices = @transform_2, window_bounds = array<i64: 1, 256>}, {transform_indices = @transform_3, window_bounds = array<i64: 1280, 256>}]} {
    %get3A = arith.constant 0 : index
    %get3A_0 = arith.constant 0 : index
    %get3A_1 = vector.load %arg2[%get3A, %get3A_0] : memref<1280x32xf32, #tpu.memory_space<vmem>>, vector<1280x32xf32>
    %reduce_sum3A = arith.constant dense<0.000000e+00> : vector<1280xf32>
    %reduce_sum3A_2 = vector.multi_reduction <add>, %get3A_1, %reduce_sum3A [1] : vector<1280x32xf32> to vector<1280xf32>
    %broadcast_in_dim3A = vector.shape_cast %reduce_sum3A_2 : vector<1280xf32> to vector<1280x1xf32>
    %max3A = arith.constant 1.000000e+00 : f32
    %max3A_3 = vector.broadcast %max3A : f32 to vector<1280x1xf32>
    %max3A_4 = arith.maximumf %broadcast_in_dim3A, %max3A_3 : vector<1280x1xf32>
    %rsqrt3A = math.rsqrt %max3A_4 : vector<1280x1xf32>
    %get3A_5 = arith.constant 0 : index
    %get3A_6 = arith.constant 0 : index
    %get3A_7 = arith.constant 0 : index
    %get3A_8 = vector.load %arg1[%get3A_5, %get3A_6, %get3A_7] : memref<64x4x1280xf32, #tpu.memory_space<vmem>>, vector<64x4x1280xf32>
    %reshape3A = vector.shape_cast %get3A_8 : vector<64x4x1280xf32> to vector<256x1280xf32>
    %transpose3A = tpu.transpose %reshape3A, [1, 0] : vector<256x1280xf32> -> vector<1280x256xf32>
    %mul3A = vector.broadcast %rsqrt3A : vector<1280x1xf32> to vector<1280x256xf32>
    %mul3A_9 = arith.mulf %transpose3A, %mul3A : vector<1280x256xf32>
    %get3A_10 = arith.constant 0 : index
    %get3A_11 = arith.constant 0 : index
    %get3A_12 = vector.load %arg3[%get3A_10, %get3A_11] : memref<1x256xf32, #tpu.memory_space<vmem>>, vector<1x256xf32>
    %add3A = vector.broadcast %get3A_12 : vector<1x256xf32> to vector<1280x256xf32>
    %add3A_13 = arith.addf %mul3A_9, %add3A : vector<1280x256xf32>
    %max3A_14 = arith.constant 0.000000e+00 : f32
    %max3A_15 = vector.broadcast %max3A_14 : f32 to vector<1280x256xf32>
    %max3A_16 = arith.maximumf %add3A_13, %max3A_15 : vector<1280x256xf32>
    %swap3A = arith.constant 0 : index
    %swap3A_17 = arith.constant 0 : index
    %swap3A_18 = vector.load %arg4[%swap3A, %swap3A_17] : memref<1280x256xf32, #tpu.memory_space<vmem>>, vector<1280x256xf32>
    tpu.vector_store %arg4[%swap3A, %swap3A_17], %max3A_16 {strides = array<i32>} : memref<1280x256xf32, #tpu.memory_space<vmem>>, vector<1280x256xf32>,
    return
  }
  func.func @transform_0(%arg0: i32) -> (i32, i32, i32) {
    %c0_i32 = arith.constant 0 : i32
    %c0_i32_0 = arith.constant 0 : i32
    %c0_i32_1 = arith.constant 0 : i32
    return %c0_i32, %c0_i32_0, %arg0 : i32, i32, i32
  }
  func.func @transform_1(%arg0: i32) -> (i32, i32) {
    %c0_i32 = arith.constant 0 : i32
    %c0_i32_0 = arith.constant 0 : i32
    return %arg0, %c0_i32 : i32, i32
  }
  func.func @transform_2(%arg0: i32) -> (i32, i32) {
    %c0_i32 = arith.constant 0 : i32
    %c0_i32_0 = arith.constant 0 : i32
    %c0_i32_1 = arith.constant 0 : i32
    return %c0_i32, %c0_i32_0 : i32, i32
  }
  func.func @transform_3(%arg0: i32) -> (i32, i32) {
    %c0_i32 = arith.constant 0 : i32
    %c0_i32_0 = arith.constant 0 : i32
    return %arg0, %c0_i32 : i32, i32
  }
}

</mosaic_0001>

<sc_bundles>
// kernel: kernel.12.cloned.1.call-start
scs
__scs_entry_jumppad:
0x0: {  	(pc) =	sbr.rel $0x88, $3  }
0x1: {  	(tag) =	ssettag $0x0;
	lr =	simm.s32 $0x1  }
0x2: {  	[smem:$0x3F9D] =	sst lr;
	_ =	strace $0xD0000000  }
0x3: {  	_ = 	snop  }
0x4: {  	_ = 	snop  }
0x5: {  	_ = 	snop  }
0x6: {  	_ = 	snop  }
0x7: {  	_ = 	snop  }
__scs_overlays_trampoline_lowered:
0x8: {  	[smem:$0x3FAC] =	sst s0  }
0x9: {  	[smem:$0x3FAD] =	sst s1  }
0xa: {  	[smem:$0x3FAE] =	sst s2  }
0xb: {  	[smem:$0x3FAF] =	sst s3  }
0xc: {  	[smem:$0x3FB0] =	sst s4  }
0xd: {  	[smem:$0x3FB1] =	sst s5  }
0xe: {  	[smem:$0x3FB2] =	sst s6  }
0xf: {  	[smem:$0x3FB3] =	sst s7  }
0x10: {  	[smem:$0x3FB4] =	sst s8  }
0x11: {  	[smem:$0x3FB5] =	sst s9;
	s0 =	simm.s32 @!p0 $0x0  }
0x12: {  	s1 =	sld [smem:$0x3F9B];
	s0 =	simm.s32 @p0 $0x1  }
0x13: {  	[smem:$0x3FB6] =	sst s0;
	s0 =	simm.s32 @!p1 $0x0  }
0x14: {  	s2 =	sld [smem:$0x3F9A];
	s0 =	simm.s32 @p1 $0x1  }
0x15: {  	[smem:$0x3FB7] =	sst s0;
	s0 =	simm.s32 @!p2 $0x0  }
0x16: {  	s3 =	sld [smem:$0x3FDB];
	s0 =	simm.s32 @p2 $0x1  }
0x17: {  	s4 =	simm.s32 $0x1BF5;
	[smem:$0x3FB9] =	sst s0  }
0x18: {  	s0 =	sld [smem:$0x3F9C];
	_ =	swait.ge [sflag:s4], $0x0  }
0x19: {  	s7 =	sld [smem:$0x3F9D]  }
0x1a: {  	s8 =	sadd.s32 $0xFFFFE003, lr  }
0x1b: {  	s9 =	sadd.s32 $0xFFFFFEF7, lr;
	s5 =	simm.s32 $0xFFFFFFFF;
	p2 =	slt.u32 s8, $0xFFFFF086  }
0x1c: {  	p1 =	slt.u32 s9, $0xF7A;
	s5 =	simm.s32 @!p2 $0x0  }
0x1d: {  	s5 =	simm.s32 @p1 $0x1;
	p0 =	seq.s32 s7, s2  }
0x1e: {  	s7 =	smul.u32 @!p0 $0xF7A, s2;
	p2 =	seq.s32 @!p0 s5, $0x0  }
0x1f: {  	s9 =	smul.u32 $0xF7A, s1;
	s8 =	simm.s32 @!p0 $0x1BF5;
	p2 =	por !p2, p0  }
0x20: {  	[sflag:s8] =	ssyncset.s32 @!p0 $0xFFFFF086;
	s6 =	sadd.s32 @!p0 s3, s7;
	s7 =	simm.s32 @!p0 $0x108  }
0x21: {  	s3 =	sadd.s32 s3, s9;
	s6 =	sadd.s32 @!p0 $0x88, s6;
	s7 =	simm.s32 @p2 $0x1082  }
0x22: {  	[simem:s7], [sflag:s8] =	dma.local @!p0 [hbm:s6], $0xF7A  }
0x23: {  	s9 =	sor.u32 $0xD0000000, s2;
	s6 =	simm.s32 $0x108;
	_ =	swait.ge @!p0 [sflag:s8], $0x0  }
0x24: {  	s3 =	sadd.s32 $0x88, s3;
	s6 =	simm.s32 @!p1 $0x1082;
	[sflag:s4] =	ssyncset.s32 $0xFFFFF086  }
0x25: {  	[simem:s6], [sflag:s4] =	dma.local [hbm:s3], $0xF7A  }
0x26: {  	[smem:$0x3F9D] =	sst s1;
	(tag) =	ssettag s2;
	_ =	strace s9  }
0x27: {  	s1 =	sld [smem:$0x3FAD]  }
0x28: {  	s2 =	sld [smem:$0x3FAE]  }
0x29: {  	s4 =	sld [smem:$0x3FB0]  }
0x2a: {  	p0 =	seq.s32 s5, $0x0;
	s5 =	sld [smem:$0x3FB1]  }
0x2b: {  	s6 =	sld [smem:$0x3FB2]  }
0x2c: {  	s7 =	sld [smem:$0x3FB3]  }
0x2d: {  	s3 =	simm.s32 $0x108;
	s8 =	sld [smem:$0x3FB4]  }
0x2e: {  	s3 =	simm.s32 @!p0 $0x1082;
	s9 =	sld [smem:$0x3FB5]  }
0x2f: {  	lr =	sadd.s32 s0, s3;
	s0 =	sld [smem:$0x3FAC]  }
0x30: {  	s3 =	sld [smem:$0x3FAF]  }
0x31: {  	[smem:$0x3FB8] =	sst s10  }
0x32: {  	s10 =	sld [smem:$0x3FB6];
	_ =	sdelay $0x3  }
0x33: {  	p0 =	seq.s32 s10, $0x1;
	s10 =	sld [smem:$0x3FB8];
	_ =	sdelay $0x3  }
0x34: {  	[smem:$0x3FB8] =	sst s10  }
0x35: {  	s10 =	sld [smem:$0x3FB7];
	_ =	sdelay $0x3  }
0x36: {  	p1 =	seq.s32 s10, $0x1;
	s10 =	sld [smem:$0x3FB8];
	_ =	sdelay $0x3  }
0x37: {  	[smem:$0x3FB8] =	sst s10  }
0x38: {  	s10 =	sld [smem:$0x3FB9]  }
0x39: {  	_ = 	snop;
	(pc) =	sbr.ind lr, $3  }
0x3a: {  	_ = 	snop  }
0x3b: {  	_ = 	snop  }
0x3c: {  	p2 =	seq.s32 s10, $0x1;
	s10 =	sld [smem:$0x3FB8]  }
0x3d: {  	_ =	shalt  }
0x3e: {  	_ =	shalt  }
0x3f: {  	_ =	shalt  }
0x40: {  	_ =	shalt  }
0x41: {  	_ =	shalt  }
0x42: {  	_ =	shalt  }
0x43: {  	_ =	shalt  }
0x44: {  	_ =	shalt  }
0x45: {  	_ =	shalt  }
0x46: {  	_ =	shalt  }
0x47: {  	_ =	shalt  }
0x48: {  	_ =	shalt  }
0x49: {  	_ =	shalt  }
0x4a: {  	_ =	shalt  }
0x4b: {  	_ =	shalt  }
0x4c: {  	_ =	shalt  }
0x4d: {  	_ =	shalt  }
0x4e: {  	_ =	shalt  }
0x4f: {  	_ =	shalt  }
0x50: {  	_ =	shalt  }
0x51: {  	_ =	shalt  }
0x52: {  	_ =	shalt  }
0x53: {  	_ =	shalt  }
0x54: {  	_ =	shalt  }
0x55: {  	_ =	shalt  }
0x56: {  	_ =	shalt  }
0x57: {  	_ =	shalt  }
0x58: {  	_ =	shalt  }
0x59: {  	_ =	shalt  }
0x5a: {  	_ =	shalt  }
0x5b: {  	_ =	shalt  }
0x5c: {  	_ =	shalt  }
0x5d: {  	_ =	shalt  }
0x5e: {  	_ =	shalt  }
0x5f: {  	_ =	shalt  }
0x60: {  	_ =	shalt  }
0x61: {  	_ =	shalt  }
0x62: {  	_ =	shalt  }
0x63: {  	_ =	shalt  }
0x64: {  	_ =	shalt  }
0x65: {  	_ =	shalt  }
0x66: {  	_ =	shalt  }
0x67: {  	_ =	shalt  }
0x68: {  	_ =	shalt  }
0x69: {  	_ =	shalt  }
0x6a: {  	_ =	shalt  }
0x6b: {  	_ =	shalt  }
0x6c: {  	_ =	shalt  }
0x6d: {  	_ =	shalt  }
0x6e: {  	_ =	shalt  }
0x6f: {  	_ =	shalt  }
0x70: {  	_ =	shalt  }
0x71: {  	_ =	shalt  }
0x72: {  	_ =	shalt  }
0x73: {  	_ =	shalt  }
0x74: {  	_ =	shalt  }
0x75: {  	_ =	shalt  }
0x76: {  	_ =	shalt  }
0x77: {  	_ =	shalt  }
0x78: {  	_ =	shalt  }
0x79: {  	_ =	shalt  }
0x7a: {  	_ =	shalt  }
0x7b: {  	_ =	shalt  }
0x7c: {  	_ =	shalt  }
0x7d: {  	_ =	shalt  }
0x7e: {  	_ =	shalt  }
0x7f: {  	_ =	shalt  }
0x80: {  	_ =	shalt  }
0x81: {  	_ =	shalt  }
0x82: {  	_ =	shalt  }
0x83: {  	_ =	shalt  }
0x84: {  	_ =	shalt  }
0x85: {  	_ =	shalt  }
0x86: {  	_ =	shalt  }
0x87: {  	_ =	shalt  }
.Lfunc_end0:
.L_simem_size_0:
called_computation.1_lowered:
.L_overlay_start_0:
0x88: {  	s2 =	sld [smem:$0x3FD9]  }
0x89: {  	s3 =	sld [smem:$0x3FFE];
	_ =	sdelay $0x1  }
0x8a: {  	s1 =	srdreg.scid  }
0x8b: {  	s0 =	sand.u32 $0x1, s1  }
0x8c: {  	s17 =	sshll.u32 s0, $0xA;
	s2 =	sadd.s32 s3, s2  }
0x8d: {  	s2 =	sadd.s32 s2, s17  }
0x8e: {  	[smem:$0x3FC4] =	sst s2  }
0x8f: {  	_ = 	snop  }
0x90: {  	s2 =	sld [smem:$0x3FD0];
	(tm) =	ssettm $0x1  }
0x91: {  	s18 =	sld [smem:$0x3FFB];
	_ =	sdelay $0x3  }
0x92: {  	_ =	strace s18  }
0x93: {  	s3 =	sld [smem:$0x3FFC];
	_ =	sdelay $0x3  }
0x94: {  	_ =	strace s3  }
0x95: {  	s3 =	sld [smem:$0x3FFD];
	_ =	sdelay $0x3  }
0x96: {  	_ =	strace s3  }
0x97: {  	_ =	strace $0x8FFFFFFF  }
0x98: {  	s19 =	sld [smem:$0x3FDB];
	_ =	sdelay $0x1  }
0x99: {  	s4 =	simm.s32 $_scs_section_size  }
0x9a: {  	s5 =	simm.s32 $_size__tile_overlayer_lowered;
	s6 =	simm.s32 $_tile_overlayer_lowered  }
0x9b: {  	s22 =	simm.s32 $0x1BFF;
	s21 =	sshll.u32 s6, $0x1;
	s3 =	sadd.s32 s4, s19  }
0x9c: {  	s7 =	simm.s32 $0x0;
	s20 =	sshll.u32 s5, $0x1;
	s5 =	sadd.s32 s21, s3  }
0x9d: {  	[timem:s7], [sflag:s22] =	dma.local [hbm:s5], s20  }
0x9e: {  	_ =	swait.ge [sflag:s22], s20  }
0x9f: {  	s4 =	ssub.s32 $0x0, s20;
	[sflag:s22] =	ssyncset.done $0x0  }
0xa0: {  	[sflag:s22] =	ssyncadd.s32 s4;
	_ =	sdelay $0x1  }
0xa1: {  	s23 =	simm.s32 $0x1B8B  }
0xa2: {  	_ =	swait.ge [sflag:s23], $0x1  }
0xa3: {  	[sflag:s23] =	ssyncset.done $0x0  }
0xa4: {  	s25 =	simm.s32 $0x1B8E;
	s24 =	sld [smem:$0x3FFE];
	[sflag:s23] =	ssyncadd.s32 $0xFFFFFFFF  }
0xa5: {  	s26 =	simm.s32 $execute0_lowered;
	[smem:$0x3FD2] =	sst s25  }
0xa6: {  	s5 =	sshll.u32 s26, $0x1;
	_ =	strace $0x80000049;
	[dreg:$0x1] =	wrdreg $0xFFFFFFFF  }
0xa7: {  	s28 =	simm.s32 $_size_execute0_lowered;
	s3 =	sadd.s32 s3, s5;
	[dreg:$0x0] =	wrdreg $0x0  }
0xa8: {  	s5 =	sshll.u32 s28, $0x1;
	[dreg:$0x2] =	wrdreg s3  }
0xa9: {  	[dreg:$0x3] =	wrdreg s5  }
0xaa: {  	[dreg:$0x4] =	wrdreg $0xC0  }
0xab: {  	_ =	task [dreg:s7], $0x5FFFF  }
0xac: {  	[dreg:$0x1] =	wrdreg $0xFFFFFFFF  }
0xad: {  	[dreg:$0x0] =	wrdreg $0x60  }
0xae: {  	[dreg:$0x2] =	wrdreg s24  }
0xaf: {  	[dreg:$0x3] =	wrdreg s2  }
0xb0: {  	[dreg:$0x4] =	wrdreg $0x9  }
0xb1: {  	_ =	task.clear_ibuf [dreg:s7], $0x5FFFF;
	_ =	strace $0x90000049  }
0xb2: {  	s29 =	simm.s32 $0x9;
	_ =	strace $0x8000004B  }
0xb3: {  	_ =	swait.ge [sflag:s29], $0x1  }
0xb4: {  	[sflag:s29] =	ssyncadd.s32 $0xFFFFFFFF  }
0xb5: {  	_ =	strace $0x9000004B  }
0xb6: {  	_ =	sfence  }
0xb7: {  	s30 =	sld [smem:$0x0];
	_ =	sdelay $0x2  }
0xb8: {  	s31 =	sshll.u32 s1, $0xD;
	s1 =	sshrl.u32 s1, $0x2  }
0xb9: {  	s3 =	sand.u32 $0x4000, s31;
	s1 =	sadd.s32 s1, s30  }
0xba: {  	s0 =	sor.u32 s3, s0;
	s1 =	sshll.u32 s1, $0x11  }
0xbb: {  	s0 =	sor.u32 s1, s0  }
0xbc: {  	s0 =	sadd.s32 $0x8F2B, s0  }
0xbd: {  	[sflag:s0] =	ssyncadd.remote.s32 $0x1  }
0xbe: {  	_ =	sfence.sel $0xFFFF  }
0xbf: {  	[dreg:$0x0] =	wrdreg $0xFFFFFFFF;
	(pc) =	sbr.abs _section_cstart, $3  }
0xc0: {  	[dreg:$0x1] =	wrdreg $0xFFFFFFFF  }
0xc1: {  	_ =	task.clear_ibuf [dreg:s7], $0x2FFFF;
	_ =	strace $0x9FFFFFFF  }
0xc2: {  	(tm) =	ssettm $0x7FFFFFFF  }
0xc3: {  	_ =	shalt  }
tec
execute0_lowered:
.L_overlay_start_1:
0x0: {  	(tag) =	ssettag $0x1  }
0x1: {  	s5 =	rddreg [dreg:$0x0]  }
0x2: {  	s1 =	rddreg [dreg:$0x1];
	s2 =	srdreg.scid  }
0x3: {  	s0 =	rddreg [dreg:$0x2];
	s3 =	simm.s32 $0x0;
	s6 =	sand.u32 $0x1, s2  }
0x4: {  	s12 =	simm.s32 $0x14000;
	s2 =	stileid.u32;
	s4 =	sshll.u32 s6, $0x4  }
0x5: {  	s13 =	simm.s32 $0x0;
	[smem:$0x7FF] =	sst s3;
	s7 =	sor.u32 s2, s4  }
0x6: {  	s9 =	sadd.s32 $0x51200, s5;
	s11 =	sadd.s32 $0xA1200, s5;
	s8 =	smul.u32 $0x14000, s7  }
0x7: {  	_ =	strace $0x8000004A;
	s6 =	ssub.s32 $0x2, s6;
	s7 =	smul.u32 $0x2800, s7  }
0x8: {  	s4 =	sadd.s32 $0x1200, s5;
	s10 =	sshrl.u32 s6, $0x1;
	s8 =	sshrl.u32 s8, $0x3  }
0x9: {  	s10 =	ssub.s32 s6, s10;
	s5 =	sadd.s32 s9, s7;
	s8 =	sadd.s32 $0x1400, s8  }
0xa: {  	s6 =	sadd.s32 s11, s7;
	s7 =	sadd.s32 s9, s8;
	s8 =	sadd.s32 s11, s8  }
0xb: {  	s9 =	smax.u32 s10, $0x1;
	s10 =	simm.s32 $0x1;
	s11 =	simm.s32 $0xA000  }
.LBB2_1:
0xc: {  	[tilespmem:s3], [sflag:$0x1] =	stream.linear.gather [hbm4b:s5+s3], $0xA000, $0x38;
	[tilespmem:$0x17E80] =	vst v63  }
0xd: {  	_ =	swait.ge [sflag:s10], $0xA000  }
0xe: {  	[sflag:s10] =	ssyncset.done $0x0  }
0xf: {  	[sflag:s10] =	ssyncadd.s32 $0xFFFF6000  }
0x10: {  	[tilespmem:s11], [sflag:$0x1] =	stream.linear.gather [hbm4b:s4+s3], $0xA000, $0x38;
	[tilespmem:$0x17E80] =	vst v63  }
0x11: {  	_ =	swait.ge [sflag:s10], $0xA000  }
0x12: {  	[sflag:s10] =	ssyncset.done $0x0  }
0x13: {  	s14 =	simm.s32 $0x0;
	[sflag:s10] =	ssyncadd.s32 $0xFFFF6000  }
.LBB2_2:
0x14: {  	s15 =	smul.u32 $0x7D0, s14;
	_ =	sdelay $0x1  }
0x15: {  	s15 =	sadd.s32 s1, s15  }
0x16: {  	[tilespmem:s12], [sflag:$0x1] =	stream.linear.gather [hbm4b:s15+s3], $0x3E80, $0x38;
	[tilespmem:$0x17E80] =	vst v63  }
0x17: {  	_ =	swait.ge [sflag:s10], $0x3E80  }
0x18: {  	[sflag:s10] =	ssyncset.done $0x0  }
0x19: {  	s16 =	simm.s32 $0x14040;
	s15 =	simm.s32 $0xFFFFFFF8;
	[sflag:s10] =	ssyncadd.s32 $0xFFFFC180  }
.LBB2_3:
0x1a: {  	v0 =	vld [tilespmem:s16+$0xFFFFFFC0];
	_ =	sdelay $0x4  }
0x1b: {  	v1 =	vand.u32 $0xFFFF, v0;
	_ =	sdelay $0x4  }
0x1c: {  	v0 =	vshrl.u32 v0, $0x10;
	v1 =	vld.idx.msk [tilespmem:v1+s3+$0x0], $0xffff;
	_ =	sdelay $0x4  }
0x1d: {  	[tilespmem:v0+s11+$0x0] =	vst.idx.add.f32.msk $0xffff, v1  }
0x1e: {  	v0 =	vld [tilespmem:s16+$0xFFFFFFD0];
	_ =	sdelay $0x4  }
0x1f: {  	v57 =	vand.u32 $0xFFFF, v0;
	_ =	sdelay $0x4  }
0x20: {  	v0 =	vshrl.u32 v0, $0x10;
	v1 =	vld.idx.msk [tilespmem:v57+s3+$0x0], $0xffff;
	_ =	sdelay $0x4  }
0x21: {  	[tilespmem:v0+s11+$0x0] =	vst.idx.add.f32.msk $0xffff, v1  }
0x22: {  	v0 =	vld [tilespmem:s16+$0xFFFFFFE0];
	_ =	sdelay $0x4  }
0x23: {  	v58 =	vand.u32 $0xFFFF, v0;
	_ =	sdelay $0x4  }
0x24: {  	v0 =	vshrl.u32 v0, $0x10;
	v1 =	vld.idx.msk [tilespmem:v58+s3+$0x0], $0xffff;
	_ =	sdelay $0x4  }
0x25: {  	[tilespmem:v0+s11+$0x0] =	vst.idx.add.f32.msk $0xffff, v1  }
0x26: {  	v0 =	vld [tilespmem:s16+$0xFFFFFFF0];
	_ =	sdelay $0x4  }
0x27: {  	v59 =	vand.u32 $0xFFFF, v0;
	_ =	sdelay $0x4  }
0x28: {  	v0 =	vshrl.u32 v0, $0x10;
	v1 =	vld.idx.msk [tilespmem:v59+s3+$0x0], $0xffff;
	_ =	sdelay $0x4  }
0x29: {  	[tilespmem:v0+s11+$0x0] =	vst.idx.add.f32.msk $0xffff, v1  }
0x2a: {  	v0 =	vld [tilespmem:s16+$0x0];
	_ =	sdelay $0x4  }
0x2b: {  	v60 =	vand.u32 $0xFFFF, v0;
	_ =	sdelay $0x4  }
0x2c: {  	v0 =	vshrl.u32 v0, $0x10;
	v1 =	vld.idx.msk [tilespmem:v60+s3+$0x0], $0xffff;
	_ =	sdelay $0x4  }
0x2d: {  	[tilespmem:v0+s11+$0x0] =	vst.idx.add.f32.msk $0xffff, v1  }
0x2e: {  	v0 =	vld [tilespmem:s16+$0x10];
	_ =	sdelay $0x4  }
0x2f: {  	v61 =	vand.u32 $0xFFFF, v0;
	_ =	sdelay $0x4  }
0x30: {  	v0 =	vshrl.u32 v0, $0x10;
	v1 =	vld.idx.msk [tilespmem:v61+s3+$0x0], $0xffff;
	_ =	sdelay $0x4  }
0x31: {  	[tilespmem:v0+s11+$0x0] =	vst.idx.add.f32.msk $0xffff, v1  }
0x32: {  	v0 =	vld [tilespmem:s16+$0x20];
	_ =	sdelay $0x4  }
0x33: {  	v62 =	vand.u32 $0xFFFF, v0;
	_ =	sdelay $0x4  }
0x34: {  	v0 =	vshrl.u32 v0, $0x10;
	v1 =	vld.idx.msk [tilespmem:v62+s3+$0x0], $0xffff;
	_ =	sdelay $0x4  }
0x35: {  	[tilespmem:v0+s11+$0x0] =	vst.idx.add.f32.msk $0xffff, v1  }
0x36: {  	v0 =	vld [tilespmem:s16+$0x30];
	_ =	sdelay $0x4  }
0x37: {  	v63 =	vand.u32 $0xFFFF, v0;
	_ =	sdelay $0x3  }
0x38: {  	s15 =	sadd.s32 $0x8, s15  }
0x39: {  	p0 =	slt.u32 s15, $0x3E0;
	v0 =	vshrl.u32 v0, $0x10;
	v1 =	vld.idx.msk [tilespmem:v63+s3+$0x0], $0xffff  }
.Ltmp0:
0x3a: {  	_ = 	snop;
	(pc) =	sbr.rel @p0 .LBB2_3-.Ltmp0, $2  }
0x3b: {  	_ =	sdelay $0x2  }
0x3c: {  	s16 =	sadd.s32 $0x80, s16;
	[tilespmem:v0+s11+$0x0] =	vst.idx.add.f32.msk $0xffff, v1  }
0x3d: {  	s14 =	sadd.s32 $0x1, s14  }
0x3e: {  	p0 =	sne.s32 s14, $0x28  }
.Ltmp1:
0x3f: {  	_ = 	snop;
	(pc) =	sbr.rel @p0 .LBB2_2-.Ltmp1, $1  }
0x40: {  	_ =	sdelay $0x3  }
0x41: {  	s14 =	simm.s32 $0x0  }
0x42: {  	[hbm4b:s6+s14] =	stream.linear.scatter [tilespmem:s11], [sflag:$0x1], $0xA000, $0x38;
	[tilespmem:$0x17E80] =	vst v63  }
0x43: {  	_ =	swait.ge [sflag:s10], $0xA000  }
0x44: {  	[sflag:s10] =	ssyncset.done $0x0  }
0x45: {  	[sflag:s10] =	ssyncadd.s32 $0xFFFF6000  }
0x46: {  	[tilespmem:s14], [sflag:$0x1] =	stream.linear.gather [hbm4b:s7+s14], $0xA000, $0x38;
	[tilespmem:$0x17E80] =	vst v63  }
0x47: {  	_ =	swait.ge [sflag:s10], $0xA000  }
0x48: {  	[sflag:s10] =	ssyncset.done $0x0  }
0x49: {  	[sflag:s10] =	ssyncadd.s32 $0xFFFF6000  }
0x4a: {  	[tilespmem:s11], [sflag:$0x1] =	stream.linear.gather [hbm4b:s4+s14], $0xA000, $0x38;
	[tilespmem:$0x17E80] =	vst v63  }
0x4b: {  	_ =	swait.ge [sflag:s10], $0xA000  }
0x4c: {  	[sflag:s10] =	ssyncset.done $0x0  }
0x4d: {  	[sflag:s10] =	ssyncadd.s32 $0xFFFF6000  }
.LBB2_6:
0x4e: {  	s15 =	smul.u32 $0x7D0, s14;
	_ =	sdelay $0x1  }
0x4f: {  	s15 =	sadd.s32 s1, s15  }
0x50: {  	[tilespmem:s12], [sflag:$0x1] =	stream.linear.gather [hbm4b:s15+s3], $0x3E80, $0x38;
	[tilespmem:$0x17E80] =	vst v63  }
0x51: {  	_ =	swait.ge [sflag:s10], $0x3E80  }
0x52: {  	[sflag:s10] =	ssyncset.done $0x0  }
0x53: {  	s16 =	simm.s32 $0x14040;
	s15 =	simm.s32 $0xFFFFFFF8;
	[sflag:s10] =	ssyncadd.s32 $0xFFFFC180  }
.LBB2_7:
0x54: {  	v0 =	vld [tilespmem:s16+$0xFFFFFFC0];
	_ =	sdelay $0x4  }
0x55: {  	v1 =	vand.u32 $0xFFFF, v0;
	_ =	sdelay $0x4  }
0x56: {  	v0 =	vshrl.u32 v0, $0x10;
	v1 =	vld.idx.msk [tilespmem:v1+s3+$0x0], $0xffff;
	_ =	sdelay $0x4  }
0x57: {  	[tilespmem:v0+s11+$0x0] =	vst.idx.add.f32.msk $0xffff, v1  }
0x58: {  	v0 =	vld [tilespmem:s16+$0xFFFFFFD0];
	_ =	sdelay $0x4  }
0x59: {  	v57 =	vand.u32 $0xFFFF, v0;
	_ =	sdelay $0x4  }
0x5a: {  	v0 =	vshrl.u32 v0, $0x10;
	v1 =	vld.idx.msk [tilespmem:v57+s3+$0x0], $0xffff;
	_ =	sdelay $0x4  }
0x5b: {  	[tilespmem:v0+s11+$0x0] =	vst.idx.add.f32.msk $0xffff, v1  }
0x5c: {  	v0 =	vld [tilespmem:s16+$0xFFFFFFE0];
	_ =	sdelay $0x4  }
0x5d: {  	v58 =	vand.u32 $0xFFFF, v0;
	_ =	sdelay $0x4  }
0x5e: {  	v0 =	vshrl.u32 v0, $0x10;
	v1 =	vld.idx.msk [tilespmem:v58+s3+$0x0], $0xffff;
	_ =	sdelay $0x4  }
0x5f: {  	[tilespmem:v0+s11+$0x0] =	vst.idx.add.f32.msk $0xffff, v1  }
0x60: {  	v0 =	vld [tilespmem:s16+$0xFFFFFFF0];
	_ =	sdelay $0x4  }
0x61: {  	v59 =	vand.u32 $0xFFFF, v0;
	_ =	sdelay $0x4  }
0x62: {  	v0 =	vshrl.u32 v0, $0x10;
	v1 =	vld.idx.msk [tilespmem:v59+s3+$0x0], $0xffff;
	_ =	sdelay $0x4  }
0x63: {  	[tilespmem:v0+s11+$0x0] =	vst.idx.add.f32.msk $0xffff, v1  }
0x64: {  	v0 =	vld [tilespmem:s16+$0x0];
	_ =	sdelay $0x4  }
0x65: {  	v60 =	vand.u32 $0xFFFF, v0;
	_ =	sdelay $0x4  }
0x66: {  	v0 =	vshrl.u32 v0, $0x10;
	v1 =	vld.idx.msk [tilespmem:v60+s3+$0x0], $0xffff;
	_ =	sdelay $0x4  }
0x67: {  	[tilespmem:v0+s11+$0x0] =	vst.idx.add.f32.msk $0xffff, v1  }
0x68: {  	v0 =	vld [tilespmem:s16+$0x10];
	_ =	sdelay $0x4  }
0x69: {  	v61 =	vand.u32 $0xFFFF, v0;
	_ =	sdelay $0x4  }
0x6a: {  	v0 =	vshrl.u32 v0, $0x10;
	v1 =	vld.idx.msk [tilespmem:v61+s3+$0x0], $0xffff;
	_ =	sdelay $0x4  }
0x6b: {  	[tilespmem:v0+s11+$0x0] =	vst.idx.add.f32.msk $0xffff, v1  }
0x6c: {  	v0 =	vld [tilespmem:s16+$0x20];
	_ =	sdelay $0x4  }
0x6d: {  	v62 =	vand.u32 $0xFFFF, v0;
	_ =	sdelay $0x4  }
0x6e: {  	v0 =	vshrl.u32 v0, $0x10;
	v1 =	vld.idx.msk [tilespmem:v62+s3+$0x0], $0xffff;
	_ =	sdelay $0x4  }
0x6f: {  	[tilespmem:v0+s11+$0x0] =	vst.idx.add.f32.msk $0xffff, v1  }
0x70: {  	v0 =	vld [tilespmem:s16+$0x30];
	_ =	sdelay $0x4  }
0x71: {  	v63 =	vand.u32 $0xFFFF, v0;
	_ =	sdelay $0x3  }
0x72: {  	s15 =	sadd.s32 $0x8, s15  }
0x73: {  	p0 =	slt.u32 s15, $0x3E0;
	v0 =	vshrl.u32 v0, $0x10;
	v1 =	vld.idx.msk [tilespmem:v63+s3+$0x0], $0xffff  }
.Ltmp2:
0x74: {  	_ = 	snop;
	(pc) =	sbr.rel @p0 .LBB2_7-.Ltmp2, $2  }
0x75: {  	_ =	sdelay $0x2  }
0x76: {  	s16 =	sadd.s32 $0x80, s16;
	[tilespmem:v0+s11+$0x0] =	vst.idx.add.f32.msk $0xffff, v1  }
0x77: {  	s14 =	sadd.s32 $0x1, s14  }
0x78: {  	p0 =	sne.s32 s14, $0x28  }
.Ltmp3:
0x79: {  	_ = 	snop;
	(pc) =	sbr.rel @p0 .LBB2_6-.Ltmp3, $1  }
0x7a: {  	_ =	sdelay $0x3  }
0x7b: {  	s13 =	sadd.s32 $0x1, s13  }
0x7c: {  	p0 =	sne.s32 s13, s9  }
.Ltmp4:
0x7d: {  	_ = 	snop;
	(pc) =	sbr.rel @p0 .LBB2_1-.Ltmp4, $4  }
0x7e: {  	[hbm4b:s8+s3] =	stream.linear.scatter [tilespmem:s11], [sflag:$0x1], $0xA000, $0x38;
	[tilespmem:$0x17E80] =	vst v63  }
0x7f: {  	_ =	swait.ge [sflag:s10], $0xA000  }
0x80: {  	[sflag:s10] =	ssyncset.done $0x0  }
0x81: {  	[sflag:s10] =	ssyncadd.s32 $0xFFFF6000  }
0x82: {  	_ =	sfence.sel $0x180000  }
0x83: {  	[bflag:$0x0] =	sbarrier.arrive $0xFFFF  }
0x84: {  	p0 =	sne.s32 s2, $0x0;
	_ =	strace $0x9000004A  }
0x85: {  	s0 =	sadd.s32 @!p0 $0x100000, s0;
	[bflag:$0x2] =	sbarrier.arrive $0xFFFF  }
0x86: {  	[sflag:s0] =	ssyncadd.tile.s32 @!p0 $0x1;
	_ =	shalt  }
.Lfunc_end2:
_tile_overlayer_lowered:
.L_overlay_start_2:
0x87: {  	(tag) =	ssettag $0x2  }
0x88: {  	s0 =	rddreg [dreg:$0x0];
	s2 =	stileid.u32  }
0x89: {  	s1 =	rddreg [dreg:$0x1];
	p0 =	sne.s32 s2, $0x0  }
0x8a: {  	s3 =	rddreg [dreg:$0x2];
	[bflag:$0x3] =	sbarrier.arrive $0xFFFF;
	s2 =	simm.s32 @!p0 $0x1C01  }
0x8b: {  	[timem:s3], [sflag:s2] =	dma.local @!p0 [hbm:s0], s1  }
0x8c: {  	s0 =	simm.s32 @!p0 $0x1  }
0x8d: {  	_ =	swait.ge @!p0 [sflag:s0], s1  }
0x8e: {  	s1 =	ssub.s32 @!p0 $0x0, s1;
	[sflag:s0] =	ssyncset.done @!p0 $0x0  }
0x8f: {  	[sflag:s0] =	ssyncadd.s32 @!p0 s1  }
0x90: {  	[bflag:$0x3] =	sbarrier.arrive $0xFFFF  }
0x91: {  	_ =	shalt  }

// kernel: kernel.9.cloned.1.call-start
scs
__scs_entry_jumppad:
0x0: {  	(pc) =	sbr.rel $0x88, $3  }
0x1: {  	(tag) =	ssettag $0x0;
	lr =	simm.s32 $0x1  }
0x2: {  	[smem:$0x3F9D] =	sst lr;
	_ =	strace $0xD0000000  }
0x3: {  	_ = 	snop  }
0x4: {  	_ = 	snop  }
0x5: {  	_ = 	snop  }
0x6: {  	_ = 	snop  }
0x7: {  	_ = 	snop  }
__scs_overlays_trampoline_lowered:
0x8: {  	[smem:$0x3FAC] =	sst s0  }
0x9: {  	[smem:$0x3FAD] =	sst s1  }
0xa: {  	[smem:$0x3FAE] =	sst s2  }
0xb: {  	[smem:$0x3FAF] =	sst s3  }
0xc: {  	[smem:$0x3FB0] =	sst s4  }
0xd: {  	[smem:$0x3FB1] =	sst s5  }
0xe: {  	[smem:$0x3FB2] =	sst s6  }
0xf: {  	[smem:$0x3FB3] =	sst s7  }
0x10: {  	[smem:$0x3FB4] =	sst s8  }
0x11: {  	[smem:$0x3FB5] =	sst s9;
	s0 =	simm.s32 @!p0 $0x0  }
0x12: {  	s1 =	sld [smem:$0x3F9B];
	s0 =	simm.s32 @p0 $0x1  }
0x13: {  	[smem:$0x3FB6] =	sst s0;
	s0 =	simm.s32 @!p1 $0x0  }
0x14: {  	s2 =	sld [smem:$0x3F9A];
	s0 =	simm.s32 @p1 $0x1  }
0x15: {  	[smem:$0x3FB7] =	sst s0;
	s0 =	simm.s32 @!p2 $0x0  }
0x16: {  	s3 =	sld [smem:$0x3FDB];
	s0 =	simm.s32 @p2 $0x1  }
0x17: {  	s4 =	simm.s32 $0x1BF5;
	[smem:$0x3FB9] =	sst s0  }
0x18: {  	s0 =	sld [smem:$0x3F9C];
	_ =	swait.ge [sflag:s4], $0x0  }
0x19: {  	s7 =	sld [smem:$0x3F9D]  }
0x1a: {  	s8 =	sadd.s32 $0xFFFFE003, lr  }
0x1b: {  	s9 =	sadd.s32 $0xFFFFFEF7, lr;
	s5 =	simm.s32 $0xFFFFFFFF;
	p2 =	slt.u32 s8, $0xFFFFF086  }
0x1c: {  	p1 =	slt.u32 s9, $0xF7A;
	s5 =	simm.s32 @!p2 $0x0  }
0x1d: {  	s5 =	simm.s32 @p1 $0x1;
	p0 =	seq.s32 s7, s2  }
0x1e: {  	s7 =	smul.u32 @!p0 $0xF7A, s2;
	p2 =	seq.s32 @!p0 s5, $0x0  }
0x1f: {  	s9 =	smul.u32 $0xF7A, s1;
	s8 =	simm.s32 @!p0 $0x1BF5;
	p2 =	por !p2, p0  }
0x20: {  	[sflag:s8] =	ssyncset.s32 @!p0 $0xFFFFF086;
	s6 =	sadd.s32 @!p0 s3, s7;
	s7 =	simm.s32 @!p0 $0x108  }
0x21: {  	s3 =	sadd.s32 s3, s9;
	s6 =	sadd.s32 @!p0 $0x88, s6;
	s7 =	simm.s32 @p2 $0x1082  }
0x22: {  	[simem:s7], [sflag:s8] =	dma.local @!p0 [hbm:s6], $0xF7A  }
0x23: {  	s9 =	sor.u32 $0xD0000000, s2;
	s6 =	simm.s32 $0x108;
	_ =	swait.ge @!p0 [sflag:s8], $0x0  }
0x24: {  	s3 =	sadd.s32 $0x88, s3;
	s6 =	simm.s32 @!p1 $0x1082;
	[sflag:s4] =	ssyncset.s32 $0xFFFFF086  }
0x25: {  	[simem:s6], [sflag:s4] =	dma.local [hbm:s3], $0xF7A  }
0x26: {  	[smem:$0x3F9D] =	sst s1;
	(tag) =	ssettag s2;
	_ =	strace s9  }
0x27: {  	s1 =	sld [smem:$0x3FAD]  }
0x28: {  	s2 =	sld [smem:$0x3FAE]  }
0x29: {  	s4 =	sld [smem:$0x3FB0]  }
0x2a: {  	p0 =	seq.s32 s5, $0x0;
	s5 =	sld [smem:$0x3FB1]  }
0x2b: {  	s6 =	sld [smem:$0x3FB2]  }
0x2c: {  	s7 =	sld [smem:$0x3FB3]  }
0x2d: {  	s3 =	simm.s32 $0x108;
	s8 =	sld [smem:$0x3FB4]  }
0x2e: {  	s3 =	simm.s32 @!p0 $0x1082;
	s9 =	sld [smem:$0x3FB5]  }
0x2f: {  	lr =	sadd.s32 s0, s3;
	s0 =	sld [smem:$0x3FAC]  }
0x30: {  	s3 =	sld [smem:$0x3FAF]  }
0x31: {  	[smem:$0x3FB8] =	sst s10  }
0x32: {  	s10 =	sld [smem:$0x3FB6];
	_ =	sdelay $0x3  }
0x33: {  	p0 =	seq.s32 s10, $0x1;
	s10 =	sld [smem:$0x3FB8];
	_ =	sdelay $0x3  }
0x34: {  	[smem:$0x3FB8] =	sst s10  }
0x35: {  	s10 =	sld [smem:$0x3FB7];
	_ =	sdelay $0x3  }
0x36: {  	p1 =	seq.s32 s10, $0x1;
	s10 =	sld [smem:$0x3FB8];
	_ =	sdelay $0x3  }
0x37: {  	[smem:$0x3FB8] =	sst s10  }
0x38: {  	s10 =	sld [smem:$0x3FB9]  }
0x39: {  	_ = 	snop;
	(pc) =	sbr.ind lr, $3  }
0x3a: {  	_ = 	snop  }
0x3b: {  	_ = 	snop  }
0x3c: {  	p2 =	seq.s32 s10, $0x1;
	s10 =	sld [smem:$0x3FB8]  }
0x3d: {  	_ =	shalt  }
0x3e: {  	_ =	shalt  }
0x3f: {  	_ =	shalt  }
0x40: {  	_ =	shalt  }
0x41: {  	_ =	shalt  }
0x42: {  	_ =	shalt  }
0x43: {  	_ =	shalt  }
0x44: {  	_ =	shalt  }
0x45: {  	_ =	shalt  }
0x46: {  	_ =	shalt  }
0x47: {  	_ =	shalt  }
0x48: {  	_ =	shalt  }
0x49: {  	_ =	shalt  }
0x4a: {  	_ =	shalt  }
0x4b: {  	_ =	shalt  }
0x4c: {  	_ =	shalt  }
0x4d: {  	_ =	shalt  }
0x4e: {  	_ =	shalt  }
0x4f: {  	_ =	shalt  }
0x50: {  	_ =	shalt  }
0x51: {  	_ =	shalt  }
0x52: {  	_ =	shalt  }
0x53: {  	_ =	shalt  }
0x54: {  	_ =	shalt  }
0x55: {  	_ =	shalt  }
0x56: {  	_ =	shalt  }
0x57: {  	_ =	shalt  }
0x58: {  	_ =	shalt  }
0x59: {  	_ =	shalt  }
0x5a: {  	_ =	shalt  }
0x5b: {  	_ =	shalt  }
0x5c: {  	_ =	shalt  }
0x5d: {  	_ =	shalt  }
0x5e: {  	_ =	shalt  }
0x5f: {  	_ =	shalt  }
0x60: {  	_ =	shalt  }
0x61: {  	_ =	shalt  }
0x62: {  	_ =	shalt  }
0x63: {  	_ =	shalt  }
0x64: {  	_ =	shalt  }
0x65: {  	_ =	shalt  }
0x66: {  	_ =	shalt  }
0x67: {  	_ =	shalt  }
0x68: {  	_ =	shalt  }
0x69: {  	_ =	shalt  }
0x6a: {  	_ =	shalt  }
0x6b: {  	_ =	shalt  }
0x6c: {  	_ =	shalt  }
0x6d: {  	_ =	shalt  }
0x6e: {  	_ =	shalt  }
0x6f: {  	_ =	shalt  }
0x70: {  	_ =	shalt  }
0x71: {  	_ =	shalt  }
0x72: {  	_ =	shalt  }
0x73: {  	_ =	shalt  }
0x74: {  	_ =	shalt  }
0x75: {  	_ =	shalt  }
0x76: {  	_ =	shalt  }
0x77: {  	_ =	shalt  }
0x78: {  	_ =	shalt  }
0x79: {  	_ =	shalt  }
0x7a: {  	_ =	shalt  }
0x7b: {  	_ =	shalt  }
0x7c: {  	_ =	shalt  }
0x7d: {  	_ =	shalt  }
0x7e: {  	_ =	shalt  }
0x7f: {  	_ =	shalt  }
0x80: {  	_ =	shalt  }
0x81: {  	_ =	shalt  }
0x82: {  	_ =	shalt  }
0x83: {  	_ =	shalt  }
0x84: {  	_ =	shalt  }
0x85: {  	_ =	shalt  }
0x86: {  	_ =	shalt  }
0x87: {  	_ =	shalt  }
.Lfunc_end0:
.L_simem_size_0:
called_computation_lowered:
.L_overlay_start_0:
0x88: {  	s2 =	sld [smem:$0x3FD9]  }
0x89: {  	s3 =	sld [smem:$0x3FFE];
	_ =	sdelay $0x1  }
0x8a: {  	s1 =	srdreg.scid  }
0x8b: {  	s0 =	sand.u32 $0x1, s1  }
0x8c: {  	s16 =	sshll.u32 s0, $0xA;
	s2 =	sadd.s32 s3, s2  }
0x8d: {  	s2 =	sadd.s32 s2, s16  }
0x8e: {  	[smem:$0x3FC4] =	sst s2  }
0x8f: {  	_ = 	snop  }
0x90: {  	(tm) =	ssettm $0x1  }
0x91: {  	s17 =	sld [smem:$0x3FFB];
	_ =	sdelay $0x3  }
0x92: {  	_ =	strace s17  }
0x93: {  	s2 =	sld [smem:$0x3FFC];
	_ =	sdelay $0x3  }
0x94: {  	_ =	strace s2  }
0x95: {  	s2 =	sld [smem:$0x3FFD];
	_ =	sdelay $0x3  }
0x96: {  	_ =	strace s2  }
0x97: {  	_ =	strace $0x8FFFFFFF  }
0x98: {  	s18 =	sld [smem:$0x3FDB];
	_ =	sdelay $0x1  }
0x99: {  	s19 =	simm.s32 $_scs_section_size  }
0x9a: {  	s4 =	simm.s32 $_size__tile_overlayer_lowered;
	s5 =	simm.s32 $_tile_overlayer_lowered  }
0x9b: {  	s22 =	simm.s32 $0x1BFF;
	s21 =	sshll.u32 s5, $0x1;
	s2 =	sadd.s32 s19, s18  }
0x9c: {  	s6 =	simm.s32 $0x0;
	s20 =	sshll.u32 s4, $0x1;
	s4 =	sadd.s32 s21, s2  }
0x9d: {  	[timem:s6], [sflag:s22] =	dma.local [hbm:s4], s20  }
0x9e: {  	_ =	swait.ge [sflag:s22], s20  }
0x9f: {  	s3 =	ssub.s32 $0x0, s20;
	[sflag:s22] =	ssyncset.done $0x0  }
0xa0: {  	[sflag:s22] =	ssyncadd.s32 s3;
	_ =	sdelay $0x1  }
0xa1: {  	s23 =	simm.s32 $0x1B8B  }
0xa2: {  	_ =	swait.ge [sflag:s23], $0x1  }
0xa3: {  	[sflag:s23] =	ssyncset.done $0x0  }
0xa4: {  	s25 =	simm.s32 $0x1B8E;
	s24 =	sld [smem:$0x3FFE];
	[sflag:s23] =	ssyncadd.s32 $0xFFFFFFFF  }
0xa5: {  	s26 =	simm.s32 $execute0_lowered;
	[smem:$0x3FD2] =	sst s25  }
0xa6: {  	s4 =	sshll.u32 s26, $0x1;
	_ =	strace $0x80000046;
	[dreg:$0x1] =	wrdreg $0xFFFFFFFF  }
0xa7: {  	s28 =	simm.s32 $_size_execute0_lowered;
	s2 =	sadd.s32 s2, s4;
	[dreg:$0x0] =	wrdreg $0x0  }
0xa8: {  	s4 =	sshll.u32 s28, $0x1;
	[dreg:$0x2] =	wrdreg s2  }
0xa9: {  	[dreg:$0x3] =	wrdreg s4  }
0xaa: {  	[dreg:$0x4] =	wrdreg $0xC0  }
0xab: {  	_ =	task [dreg:s6], $0x5FFFF  }
0xac: {  	[dreg:$0x1] =	wrdreg $0xFFFFFFFF  }
0xad: {  	[dreg:$0x0] =	wrdreg $0x60  }
0xae: {  	[dreg:$0x2] =	wrdreg s24  }
0xaf: {  	[dreg:$0x3] =	wrdreg $0x9  }
0xb0: {  	_ =	task.clear_ibuf [dreg:s6], $0x4FFFF;
	_ =	strace $0x90000046  }
0xb1: {  	s29 =	simm.s32 $0x9;
	_ =	strace $0x80000048  }
0xb2: {  	_ =	swait.ge [sflag:s29], $0x1  }
0xb3: {  	[sflag:s29] =	ssyncadd.s32 $0xFFFFFFFF  }
0xb4: {  	_ =	strace $0x90000048  }
0xb5: {  	_ =	sfence  }
0xb6: {  	s30 =	sld [smem:$0x0];
	_ =	sdelay $0x2  }
0xb7: {  	s31 =	sshll.u32 s1, $0xD;
	s1 =	sshrl.u32 s1, $0x2  }
0xb8: {  	s3 =	sand.u32 $0x4000, s31;
	s1 =	sadd.s32 s1, s30  }
0xb9: {  	s0 =	sor.u32 s3, s0;
	s1 =	sshll.u32 s1, $0x11  }
0xba: {  	s0 =	sor.u32 s1, s0  }
0xbb: {  	s0 =	sadd.s32 $0x8F2B, s0  }
0xbc: {  	[sflag:s0] =	ssyncadd.remote.s32 $0x1  }
0xbd: {  	_ =	sfence.sel $0xFFFF  }
0xbe: {  	[dreg:$0x0] =	wrdreg $0xFFFFFFFF;
	(pc) =	sbr.abs _section_cstart, $3  }
0xbf: {  	[dreg:$0x1] =	wrdreg $0xFFFFFFFF  }
0xc0: {  	_ =	task.clear_ibuf [dreg:s6], $0x2FFFF;
	_ =	strace $0x9FFFFFFF  }
0xc1: {  	(tm) =	ssettm $0x7FFFFFFF  }
tec
execute0_lowered:
.L_overlay_start_1:
0x0: {  	(tag) =	ssettag $0x1  }
0x1: {  	s0 =	srdreg.scid  }
0x2: {  	s4 =	rddreg [dreg:$0x0];
	s3 =	sand.u32 $0x1, s0  }
0x3: {  	s2 =	simm.s32 $0x0;
	s0 =	stileid.u32;
	s1 =	sshll.u32 s3, $0x4  }
0x4: {  	s9 =	simm.s32 $0x0;
	[smem:$0x7FF] =	sst s2;
	s5 =	sor.u32 s0, s1  }
0x5: {  	s7 =	ssub.s32 $0x2, s3;
	s3 =	sadd.s32 $0xB000, s4;
	s6 =	smul.u32 $0x4E2, s5  }
0x6: {  	s1 =	rddreg [dreg:$0x1];
	s8 =	sshrl.u32 s7, $0x1;
	s5 =	smul.u32 $0x9C4, s5  }
0x7: {  	_ =	strace $0x80000047;
	s7 =	ssub.s32 s7, s8;
	s6 =	sadd.s32 s6, s4  }
0x8: {  	s8 =	simm.s32 $0x1;
	s5 =	sadd.s32 s5, s4;
	s4 =	sadd.s32 $0x1200, s6  }
0x9: {  	v0 =	vimm.f32 $1.000000000e+00;
	s5 =	sadd.s32 $0xBA00, s5;
	s6 =	smax.u32 s7, $0x1;
	s7 =	simm.s32 $0x2780  }
.LBB2_1:
0xa: {  	[tilespmem:s7], [sflag:$0x1] =	stream.linear.gather [hbm4b:s3+s2], $0x4E80, $0x38;
	[tilespmem:$0x7600] =	vst v63  }
0xb: {  	_ =	swait.ge [sflag:s8], $0x4E80  }
0xc: {  	[sflag:s8] =	ssyncset.done $0x0  }
0xd: {  	[sflag:s8] =	ssyncadd.s32 $0xFFFFB180  }
0xe: {  	[tilespmem:s2], [sflag:$0x1] =	stream.linear.gather [hbm4b:s4+s2], $0x2710, $0x38;
	[tilespmem:$0x7600] =	vst v63  }
0xf: {  	_ =	swait.ge [sflag:s8], $0x2710  }
0x10: {  	[sflag:s8] =	ssyncset.done $0x0  }
0x11: {  	s11 =	simm.s32 $0x0;
	s10 =	simm.s32 $0x40;
	[sflag:s8] =	ssyncadd.s32 $0xFFFFD8F0  }
.LBB2_2:
0x12: {  	p0 =	sne.s32 s10, $0x9C00;
	v1 =	vld [tilespmem:s11+$0x0];
	_ =	sdelay $0x3  }
.Ltmp0:
0x13: {  	(pc) =	sbr.rel @p0 .LBB2_2-.Ltmp0, $2  }
0x14: {  	_ =	sdelay $0x2  }
0x15: {  	s11 =	sshra.s32 s10, $0x2;
	s10 =	sadd.s32 $0x40, s10;
	[tilespmem:v1+s7+$0x0] =	vst.idx.add.f32.msk $0xffff, v0  }
0x16: {  	v1 =	vld [tilespmem:s11+$0x0];
	_ =	sdelay $0x5  }
0x17: {  	s9 =	sadd.s32 $0x1, s9  }
0x18: {  	p0 =	sne.s32 s9, s6  }
.Ltmp1:
0x19: {  	[tilespmem:v1+s7+$0x0] =	vst.idx.add.f32.msk $0xffff, v0;
	(pc) =	sbr.rel @p0 .LBB2_1-.Ltmp1, $4  }
0x1a: {  	[hbm4b:s5+s2] =	stream.linear.scatter [tilespmem:s7], [sflag:$0x1], $0x4E20, $0x38;
	[tilespmem:$0x7600] =	vst v63  }
0x1b: {  	_ =	swait.ge [sflag:s8], $0x4E20  }
0x1c: {  	[sflag:s8] =	ssyncset.done $0x0  }
0x1d: {  	[sflag:s8] =	ssyncadd.s32 $0xFFFFB1E0  }
0x1e: {  	_ =	sfence.sel $0x180000  }
0x1f: {  	[bflag:$0x0] =	sbarrier.arrive $0xFFFF  }
0x20: {  	p0 =	sne.s32 s0, $0x0;
	_ =	strace $0x90000047  }
0x21: {  	s0 =	sadd.s32 @!p0 $0x100000, s1;
	[bflag:$0x2] =	sbarrier.arrive $0xFFFF  }
0x22: {  	[sflag:s0] =	ssyncadd.tile.s32 @!p0 $0x1;
	_ =	shalt  }
.Lfunc_end2:
_tile_overlayer_lowered:
.L_overlay_start_2:
0x23: {  	(tag) =	ssettag $0x2  }
0x24: {  	s0 =	rddreg [dreg:$0x0];
	s2 =	stileid.u32  }
0x25: {  	s1 =	rddreg [dreg:$0x1];
	p0 =	sne.s32 s2, $0x0  }
0x26: {  	s3 =	rddreg [dreg:$0x2];
	[bflag:$0x3] =	sbarrier.arrive $0xFFFF;
	s2 =	simm.s32 @!p0 $0x1C01  }
0x27: {  	[timem:s3], [sflag:s2] =	dma.local @!p0 [hbm:s0], s1  }
0x28: {  	s0 =	simm.s32 @!p0 $0x1  }
0x29: {  	_ =	swait.ge @!p0 [sflag:s0], s1  }
0x2a: {  	s1 =	ssub.s32 @!p0 $0x0, s1;
	[sflag:s0] =	ssyncset.done @!p0 $0x0  }
0x2b: {  	[sflag:s0] =	ssyncadd.s32 @!p0 s1  }
0x2c: {  	[bflag:$0x3] =	sbarrier.arrive $0xFFFF  }
0x2d: {  	_ =	shalt  }

</sc_bundles>
